<compile_context>
chip_gen: v7x
topology: tpu7x:2x2x1
jax: 0.10.2.dev20260603
libtpu: 0.0.44.dev20260713+nightly
codegen_flags: <defaults>
</compile_context>

<pallas_src>
import functools

import jax
import jax.numpy as jnp
from jax import lax
from jax.experimental import pallas as pl
from jax.experimental.pallas import tpu as pltpu
from jax.experimental.pallas import tpu_sc as plsc

_NC = 2
_NS = 16
_NW = _NC * _NS

_B = 16384
_L = 200
_V = 1000

_ROWS_PER_W = _B // _NW
_HALF = _ROWS_PER_W // 2
_GROUPS_PER_HALF = _HALF // 16


def _table_body(emb_ref, w_ref, b_ref, out_ref):
    t = lax.dot_general(
        w_ref[...].reshape(2, 128), emb_ref[...],
        dimension_numbers=(((1,), (1,)), ((), ())),
        preferred_element_type=jnp.float32,
    )
    t = (t + b_ref[...].reshape(2, 1)) * (1.0 / _L)
    bits = lax.bitcast_convert_type(
        t.astype(jnp.bfloat16), jnp.uint16
    ).astype(jnp.uint32)
    packed = bits[0, :] | (bits[1, :] << 16)
    out_ref[...] = packed.astype(jnp.int32)


def _make_table(emb, w, b):
    return pl.pallas_call(
        _table_body,
        out_shape=jax.ShapeDtypeStruct((_V,), jnp.int32),
    )(emb, w.reshape(-1), b)


_sc_mesh = plsc.VectorSubcoreMesh(core_axis_name="c", subcore_axis_name="s")


@functools.partial(
    pl.kernel,
    mesh=_sc_mesh,
    out_type=(
        jax.ShapeDtypeStruct((_B,), jnp.float32),
        jax.ShapeDtypeStruct((_B,), jnp.float32),
    ),
    scratch_types=[
        pltpu.VMEM((_L, _HALF), jnp.int32),
        pltpu.VMEM((_L, _HALF), jnp.int32),
        pltpu.VMEM((_V,), jnp.int32),
        pltpu.VMEM((_ROWS_PER_W,), jnp.float32),
        pltpu.VMEM((_ROWS_PER_W,), jnp.float32),
        pltpu.SemaphoreType.DMA,
        pltpu.SemaphoreType.DMA,
    ],
    compiler_params=pltpu.CompilerParams(
        needs_layout_passes=False, use_tc_tiling_on_sc=True
    ),
)
def _sc_pool(
    t_hbm, ids_hbm, out0_hbm, out1_hbm,
    ids_v0, ids_v1, t_v, o0_v, o1_v, sem0, sem1,
):
    wid = lax.axis_index("s") * _NC + lax.axis_index("c")
    base = wid * _ROWS_PER_W
    c0 = pltpu.async_copy(ids_hbm.at[:, pl.ds(base, _HALF)], ids_v0, sem0)
    c1 = pltpu.async_copy(ids_hbm.at[:, pl.ds(base + _HALF, _HALF)], ids_v1, sem1)
    pltpu.sync_copy(t_hbm, t_v)

    n_chain = 8
    chunk_l = _L // n_chain

    c0.wait()
    for half, ids_v in ((0, ids_v0), (1, ids_v1)):
        if half == 1:
            c1.wait()

        @plsc.parallel_loop(0, _GROUPS_PER_HALF)
        def _(g, ids_v=ids_v, half=half):
            col = g * 16
            z = jnp.zeros((16,), jnp.float32)

            @plsc.parallel_loop(0, chunk_l, carry=(z,) * (2 * n_chain), unroll=2)
            def accs(l, acc):
                out = []
                for k in range(n_chain):
                    idsv = ids_v[k + n_chain * l, pl.ds(col, 16)]
                    pair = plsc.load_gather(t_v, [idsv])
                    v0, v1 = plsc.unpack(
                        plsc.bitcast(pair, jnp.bfloat16),
                        format=plsc.PackFormat.INTERLEAVED,
                    )
                    out.append(acc[2 * k] + v0)
                    out.append(acc[2 * k + 1] + v1)
                return tuple(out)

            def _tree_sum(vals):
                while len(vals) > 1:
                    vals = [
                        vals[i] + vals[i + 1] if i + 1 < len(vals) else vals[i]
                        for i in range(0, len(vals), 2)
                    ]
                return vals[0]

            a0 = _tree_sum(list(accs[0::2]))
            a1 = _tree_sum(list(accs[1::2]))
            off = half * _HALF + col
            o0_v[pl.ds(off, 16)] = a0
            o1_v[pl.ds(off, 16)] = a1

    pltpu.sync_copy(o0_v, out0_hbm.at[pl.ds(base, _ROWS_PER_W)])
    pltpu.sync_copy(o1_v, out1_hbm.at[pl.ds(base, _ROWS_PER_W)])


def kernel(input_ids, emb, W, b):
    table = _make_table(emb, W, b)
    o0, o1 = _sc_pool(table, input_ids.T)
    return jnp.stack([o0, o1], axis=1)

# --- scband reference (transcript-rebuilt; emitter-appended) ---
"""Pipeline reference for scband-dummy-gpumodel-61615600828537 (READ-ONLY COPY).

The authoritative reference and input builder live on the scoring server;
editing this copy changes nothing except your own understanding.
"""

import jax, jax.numpy as jnp
import numpy as np


def setup_inputs(seed: int = 0) -> dict:
    key = jax.random.key(seed)
    k1, k2, k3, k4 = jax.random.split(key, 4)
    input_ids = jax.random.randint(k1, (16384, 200), 0, 1000)
    # Learned parameters sized per module __init__: Embedding(1000, 128), Linear(128, 2)
    emb = jax.random.normal(k2, (1000, 128), dtype=jnp.float32)
    W = jax.random.normal(k3, (2, 128), dtype=jnp.float32) * 0.05
    b = jax.random.normal(k4, (2,), dtype=jnp.float32) * 0.05
    return {"input_ids": input_ids, "emb": emb, "W": W, "b": b}


def reference(input_ids, emb, W, b):
    # embedding lookup (gather)
    embedded = jnp.take(emb, input_ids, axis=0)  # [B, L, 128]
    # mean pooling over sequence dim
    pooled = jnp.mean(embedded, axis=1)  # [B, 128]
    # linear head 128 -> 2
    logits = pooled @ W.T + b  # [B, 2]
    return logits

if __name__ == "__main__":
    import jax
    _d = setup_inputs()
    print(jax.jit(kernel)(*tuple(_d.values())))

</pallas_src>

<mosaic_0001>
#map = affine_map<(d0, d1) -> (0)>
#map1 = affine_map<(d0, d1) -> (0, 0)>
module attributes {stable_mosaic.version = 14 : i64} {
  func.func @_sc_pool(%arg0: i32, %arg1: i32, %arg2: memref<1000xi32, #tpu.memory_space<hbm>>, %arg3: memref<200x16384xi32, #tpu.memory_space<hbm>>, %arg4: memref<16384xf32, #tpu.memory_space<hbm>>, %arg5: memref<16384xf32, #tpu.memory_space<hbm>>, %arg6: memref<200x256xi32, #tpu.memory_space<vmem>>, %arg7: memref<200x256xi32, #tpu.memory_space<vmem>>, %arg8: memref<1000xi32, #tpu.memory_space<vmem>>, %arg9: memref<512xf32, #tpu.memory_space<vmem>>, %arg10: memref<512xf32, #tpu.memory_space<vmem>>, %arg11: memref<!tpu.dma_semaphore, #tpu.memory_space<semaphore_mem>>, %arg12: memref<!tpu.dma_semaphore, #tpu.memory_space<semaphore_mem>>) attributes {dimension_semantics = [#tpu.dimension_semantics<core_parallel>, #tpu.dimension_semantics<subcore_parallel>], iteration_bounds = array<i64: 2, 16>, scalar_prefetch = 0 : i64, scratch_operands = 7 : i64, tpu.core_type = #tpu.core_type<sc_vector_subcore>, window_params = [{transform_indices = #map}, {transform_indices = #map1}, {transform_indices = #map}, {transform_indices = #map}]} {
    %mul3A = arith.constant 2 : i32
    %mul3A_0 = arith.muli %arg1, %mul3A : i32
    %add3A = arith.addi %mul3A_0, %arg0 : i32
    %mul3A_1 = arith.constant 512 : i32
    %mul3A_2 = arith.muli %add3A, %mul3A_1 : i32
    %dma_start3A = arith.constant 0 : i32
    %dma_start3A_3 = tpu.memref_slice %arg3[%dma_start3A, %mul3A_2] : memref<200x16384xi32, #tpu.memory_space<hbm>> -> memref<200x256xi32, #tpu.memory_space<hbm>>
    %dma_start3A_4 = arith.constant 0 : i32
    %dma_start3A_5 = tpu.memref_slice %arg3[%dma_start3A_4, %mul3A_2] : memref<200x16384xi32, #tpu.memory_space<hbm>> -> memref<200x256xi32, #tpu.memory_space<hbm>>
    tpu.enqueue_dma source(%dma_start3A_5 : memref<200x256xi32, #tpu.memory_space<hbm>>) target(%arg6 : memref<200x256xi32, #tpu.memory_space<vmem>>) target_semaphore(%arg11 : memref<!tpu.dma_semaphore, #tpu.memory_space<semaphore_mem>>)
    %add3A_6 = arith.constant 256 : i32
    %add3A_7 = arith.addi %mul3A_2, %add3A_6 : i32
    %dma_start3A_8 = arith.constant 0 : i32
    %dma_start3A_9 = tpu.memref_slice %arg3[%dma_start3A_8, %add3A_7] : memref<200x16384xi32, #tpu.memory_space<hbm>> -> memref<200x256xi32, #tpu.memory_space<hbm>>
    %dma_start3A_10 = arith.constant 0 : i32
    %dma_start3A_11 = tpu.memref_slice %arg3[%dma_start3A_10, %add3A_7] : memref<200x16384xi32, #tpu.memory_space<hbm>> -> memref<200x256xi32, #tpu.memory_space<hbm>>
    tpu.enqueue_dma source(%dma_start3A_11 : memref<200x256xi32, #tpu.memory_space<hbm>>) target(%arg7 : memref<200x256xi32, #tpu.memory_space<vmem>>) target_semaphore(%arg12 : memref<!tpu.dma_semaphore, #tpu.memory_space<semaphore_mem>>)
    "tpu.region"() ({
      %run_scoped3A = tpu.sem_alloc : memref<!tpu.dma_semaphore, #tpu.memory_space<semaphore_mem>>
      tpu.enqueue_dma source(%arg2 : memref<1000xi32, #tpu.memory_space<hbm>>) target(%arg8 : memref<1000xi32, #tpu.memory_space<vmem>>) target_semaphore(%run_scoped3A : memref<!tpu.dma_semaphore, #tpu.memory_space<semaphore_mem>>)
      tpu.wait_dma2 semaphore(%run_scoped3A : memref<!tpu.dma_semaphore, #tpu.memory_space<semaphore_mem>>) src(%arg2 : memref<1000xi32, #tpu.memory_space<hbm>>) dst(%arg8 : memref<1000xi32, #tpu.memory_space<vmem>>)
      tpu.yield
    }) : () -> ()
    %dma_wait3A = arith.constant 0 : i32
    %dma_wait3A_12 = tpu.memref_slice %arg3[%dma_wait3A, %mul3A_2] : memref<200x16384xi32, #tpu.memory_space<hbm>> -> memref<200x256xi32, #tpu.memory_space<hbm>>
    %dma_wait3A_13 = arith.constant 0 : i32
    %dma_wait3A_14 = tpu.memref_slice %arg3[%dma_wait3A_13, %mul3A_2] : memref<200x16384xi32, #tpu.memory_space<hbm>> -> memref<200x256xi32, #tpu.memory_space<hbm>>
    tpu.wait_dma2 semaphore(%arg11 : memref<!tpu.dma_semaphore, #tpu.memory_space<semaphore_mem>>) src(%dma_wait3A_14 : memref<200x256xi32, #tpu.memory_space<hbm>>) dst(%arg6 : memref<200x256xi32, #tpu.memory_space<vmem>>)
    %parallel_loop3A = arith.constant 0 : i32
    %parallel_loop3A_15 = arith.constant 16 : i32
    %parallel_loop3A_16 = arith.constant 1 : i32
    scf.for %parallel_loop3A_24 = %parallel_loop3A to %parallel_loop3A_15 step %parallel_loop3A_16  : i32 {
      %parallel_loop3A_25 = arith.constant 16 : i32
      %parallel_loop3A_26 = arith.muli %parallel_loop3A_24, %parallel_loop3A_25 : i32
      %parallel_loop3A_27 = arith.constant 0.000000e+00 : f32
      %parallel_loop3A_28 = vector.broadcast %parallel_loop3A_27 : f32 to vector<16xf32>
      %parallel_loop3A_29 = arith.constant 0 : i32
      %parallel_loop3A_30 = arith.constant 25 : i32
      %parallel_loop3A_31 = arith.constant 1 : i32
      %parallel_loop3A_32:16 = scf.for %parallel_loop3A_53 = %parallel_loop3A_29 to %parallel_loop3A_30 step %parallel_loop3A_31 iter_args(%parallel_loop3A_54 = %parallel_loop3A_28, %parallel_loop3A_55 = %parallel_loop3A_28, %parallel_loop3A_56 = %parallel_loop3A_28, %parallel_loop3A_57 = %parallel_loop3A_28, %parallel_loop3A_58 = %parallel_loop3A_28, %parallel_loop3A_59 = %parallel_loop3A_28, %parallel_loop3A_60 = %parallel_loop3A_28, %parallel_loop3A_61 = %parallel_loop3A_28, %parallel_loop3A_62 = %parallel_loop3A_28, %parallel_loop3A_63 = %parallel_loop3A_28, %parallel_loop3A_64 = %parallel_loop3A_28, %parallel_loop3A_65 = %parallel_loop3A_28, %parallel_loop3A_66 = %parallel_loop3A_28, %parallel_loop3A_67 = %parallel_loop3A_28, %parallel_loop3A_68 = %parallel_loop3A_28, %parallel_loop3A_69 = %parallel_loop3A_28) -> (vector<16xf32>, vector<16xf32>, vector<16xf32>, vector<16xf32>, vector<16xf32>, vector<16xf32>, vector<16xf32>, vector<16xf32>, vector<16xf32>, vector<16xf32>, vector<16xf32>, vector<16xf32>, vector<16xf32>, vector<16xf32>, vector<16xf32>, vector<16xf32>)  : i32 {
        %parallel_loop3A_70 = arith.constant 8 : i32
        %parallel_loop3A_71 = arith.muli %parallel_loop3A_70, %parallel_loop3A_53 : i32
        %parallel_loop3A_72 = arith.constant 0 : i32
        %parallel_loop3A_73 = arith.addi %parallel_loop3A_72, %parallel_loop3A_71 : i32
        %parallel_loop3A_74 = arith.index_cast %parallel_loop3A_73 : i32 to index
        %parallel_loop3A_75 = arith.index_cast %parallel_loop3A_26 : i32 to index
        %parallel_loop3A_76 = tpu.vector_load %arg6[%parallel_loop3A_74, %parallel_loop3A_75] {strides = array<i32>} : memref<200x256xi32, #tpu.memory_space<vmem>>, vector<16xi32>,
        %parallel_loop3A_77 = tpu.vector_load_idx %arg8[%parallel_loop3A_76] : memref<1000xi32, #tpu.memory_space<vmem>>[vector<16xi32>], vector<16xi32>,
        %parallel_loop3A_78 = vector.bitcast %parallel_loop3A_77 : vector<16xi32> to vector<32xbf16>
        %parallel_loop3A_79 = tpu.unpack_subelements %parallel_loop3A_78, 0 {pack_format = #tpu.pack_format<interleaved>} : vector<32xbf16> -> vector<16xf32>
        %parallel_loop3A_80 = tpu.unpack_subelements %parallel_loop3A_78, 1 {pack_format = #tpu.pack_format<interleaved>} : vector<32xbf16> -> vector<16xf32>
        %parallel_loop3A_81 = arith.addf %parallel_loop3A_54, %parallel_loop3A_79 : vector<16xf32>
        %parallel_loop3A_82 = arith.addf %parallel_loop3A_55, %parallel_loop3A_80 : vector<16xf32>
        %parallel_loop3A_83 = arith.constant 8 : i32
        %parallel_loop3A_84 = arith.muli %parallel_loop3A_83, %parallel_loop3A_53 : i32
        %parallel_loop3A_85 = arith.constant 1 : i32
        %parallel_loop3A_86 = arith.addi %parallel_loop3A_85, %parallel_loop3A_84 : i32
        %parallel_loop3A_87 = arith.index_cast %parallel_loop3A_86 : i32 to index
        %parallel_loop3A_88 = arith.index_cast %parallel_loop3A_26 : i32 to index
        %parallel_loop3A_89 = tpu.vector_load %arg6[%parallel_loop3A_87, %parallel_loop3A_88] {strides = array<i32>} : memref<200x256xi32, #tpu.memory_space<vmem>>, vector<16xi32>,
        %parallel_loop3A_90 = tpu.vector_load_idx %arg8[%parallel_loop3A_89] : memref<1000xi32, #tpu.memory_space<vmem>>[vector<16xi32>], vector<16xi32>,
        %parallel_loop3A_91 = vector.bitcast %parallel_loop3A_90 : vector<16xi32> to vector<32xbf16>
        %parallel_loop3A_92 = tpu.unpack_subelements %parallel_loop3A_91, 0 {pack_format = #tpu.pack_format<interleaved>} : vector<32xbf16> -> vector<16xf32>
        %parallel_loop3A_93 = tpu.unpack_subelements %parallel_loop3A_91, 1 {pack_format = #tpu.pack_format<interleaved>} : vector<32xbf16> -> vector<16xf32>
        %parallel_loop3A_94 = arith.addf %parallel_loop3A_56, %parallel_loop3A_92 : vector<16xf32>
        %parallel_loop3A_95 = arith.addf %parallel_loop3A_57, %parallel_loop3A_93 : vector<16xf32>
        %parallel_loop3A_96 = arith.constant 8 : i32
        %parallel_loop3A_97 = arith.muli %parallel_loop3A_96, %parallel_loop3A_53 : i32
        %parallel_loop3A_98 = arith.constant 2 : i32
        %parallel_loop3A_99 = arith.addi %parallel_loop3A_98, %parallel_loop3A_97 : i32
        %parallel_loop3A_100 = arith.index_cast %parallel_loop3A_99 : i32 to index
        %parallel_loop3A_101 = arith.index_cast %parallel_loop3A_26 : i32 to index
        %parallel_loop3A_102 = tpu.vector_load %arg6[%parallel_loop3A_100, %parallel_loop3A_101] {strides = array<i32>} : memref<200x256xi32, #tpu.memory_space<vmem>>, vector<16xi32>,
        %parallel_loop3A_103 = tpu.vector_load_idx %arg8[%parallel_loop3A_102] : memref<1000xi32, #tpu.memory_space<vmem>>[vector<16xi32>], vector<16xi32>,
        %parallel_loop3A_104 = vector.bitcast %parallel_loop3A_103 : vector<16xi32> to vector<32xbf16>
        %parallel_loop3A_105 = tpu.unpack_subelements %parallel_loop3A_104, 0 {pack_format = #tpu.pack_format<interleaved>} : vector<32xbf16> -> vector<16xf32>
        %parallel_loop3A_106 = tpu.unpack_subelements %parallel_loop3A_104, 1 {pack_format = #tpu.pack_format<interleaved>} : vector<32xbf16> -> vector<16xf32>
        %parallel_loop3A_107 = arith.addf %parallel_loop3A_58, %parallel_loop3A_105 : vector<16xf32>
        %parallel_loop3A_108 = arith.addf %parallel_loop3A_59, %parallel_loop3A_106 : vector<16xf32>
        %parallel_loop3A_109 = arith.constant 8 : i32
        %parallel_loop3A_110 = arith.muli %parallel_loop3A_109, %parallel_loop3A_53 : i32
        %parallel_loop3A_111 = arith.constant 3 : i32
        %parallel_loop3A_112 = arith.addi %parallel_loop3A_111, %parallel_loop3A_110 : i32
        %parallel_loop3A_113 = arith.index_cast %parallel_loop3A_112 : i32 to index
        %parallel_loop3A_114 = arith.index_cast %parallel_loop3A_26 : i32 to index
        %parallel_loop3A_115 = tpu.vector_load %arg6[%parallel_loop3A_113, %parallel_loop3A_114] {strides = array<i32>} : memref<200x256xi32, #tpu.memory_space<vmem>>, vector<16xi32>,
        %parallel_loop3A_116 = tpu.vector_load_idx %arg8[%parallel_loop3A_115] : memref<1000xi32, #tpu.memory_space<vmem>>[vector<16xi32>], vector<16xi32>,
        %parallel_loop3A_117 = vector.bitcast %parallel_loop3A_116 : vector<16xi32> to vector<32xbf16>
        %parallel_loop3A_118 = tpu.unpack_subelements %parallel_loop3A_117, 0 {pack_format = #tpu.pack_format<interleaved>} : vector<32xbf16> -> vector<16xf32>
        %parallel_loop3A_119 = tpu.unpack_subelements %parallel_loop3A_117, 1 {pack_format = #tpu.pack_format<interleaved>} : vector<32xbf16> -> vector<16xf32>
        %parallel_loop3A_120 = arith.addf %parallel_loop3A_60, %parallel_loop3A_118 : vector<16xf32>
        %parallel_loop3A_121 = arith.addf %parallel_loop3A_61, %parallel_loop3A_119 : vector<16xf32>
        %parallel_loop3A_122 = arith.constant 8 : i32
        %parallel_loop3A_123 = arith.muli %parallel_loop3A_122, %parallel_loop3A_53 : i32
        %parallel_loop3A_124 = arith.constant 4 : i32
        %parallel_loop3A_125 = arith.addi %parallel_loop3A_124, %parallel_loop3A_123 : i32
        %parallel_loop3A_126 = arith.index_cast %parallel_loop3A_125 : i32 to index
        %parallel_loop3A_127 = arith.index_cast %parallel_loop3A_26 : i32 to index
        %parallel_loop3A_128 = tpu.vector_load %arg6[%parallel_loop3A_126, %parallel_loop3A_127] {strides = array<i32>} : memref<200x256xi32, #tpu.memory_space<vmem>>, vector<16xi32>,
        %parallel_loop3A_129 = tpu.vector_load_idx %arg8[%parallel_loop3A_128] : memref<1000xi32, #tpu.memory_space<vmem>>[vector<16xi32>], vector<16xi32>,
        %parallel_loop3A_130 = vector.bitcast %parallel_loop3A_129 : vector<16xi32> to vector<32xbf16>
        %parallel_loop3A_131 = tpu.unpack_subelements %parallel_loop3A_130, 0 {pack_format = #tpu.pack_format<interleaved>} : vector<32xbf16> -> vector<16xf32>
        %parallel_loop3A_132 = tpu.unpack_subelements %parallel_loop3A_130, 1 {pack_format = #tpu.pack_format<interleaved>} : vector<32xbf16> -> vector<16xf32>
        %parallel_loop3A_133 = arith.addf %parallel_loop3A_62, %parallel_loop3A_131 : vector<16xf32>
        %parallel_loop3A_134 = arith.addf %parallel_loop3A_63, %parallel_loop3A_132 : vector<16xf32>
        %parallel_loop3A_135 = arith.constant 8 : i32
        %parallel_loop3A_136 = arith.muli %parallel_loop3A_135, %parallel_loop3A_53 : i32
        %parallel_loop3A_137 = arith.constant 5 : i32
        %parallel_loop3A_138 = arith.addi %parallel_loop3A_137, %parallel_loop3A_136 : i32
        %parallel_loop3A_139 = arith.index_cast %parallel_loop3A_138 : i32 to index
        %parallel_loop3A_140 = arith.index_cast %parallel_loop3A_26 : i32 to index
        %parallel_loop3A_141 = tpu.vector_load %arg6[%parallel_loop3A_139, %parallel_loop3A_140] {strides = array<i32>} : memref<200x256xi32, #tpu.memory_space<vmem>>, vector<16xi32>,
        %parallel_loop3A_142 = tpu.vector_load_idx %arg8[%parallel_loop3A_141] : memref<1000xi32, #tpu.memory_space<vmem>>[vector<16xi32>], vector<16xi32>,
        %parallel_loop3A_143 = vector.bitcast %parallel_loop3A_142 : vector<16xi32> to vector<32xbf16>
        %parallel_loop3A_144 = tpu.unpack_subelements %parallel_loop3A_143, 0 {pack_format = #tpu.pack_format<interleaved>} : vector<32xbf16> -> vector<16xf32>
        %parallel_loop3A_145 = tpu.unpack_subelements %parallel_loop3A_143, 1 {pack_format = #tpu.pack_format<interleaved>} : vector<32xbf16> -> vector<16xf32>
        %parallel_loop3A_146 = arith.addf %parallel_loop3A_64, %parallel_loop3A_144 : vector<16xf32>
        %parallel_loop3A_147 = arith.addf %parallel_loop3A_65, %parallel_loop3A_145 : vector<16xf32>
        %parallel_loop3A_148 = arith.constant 8 : i32
        %parallel_loop3A_149 = arith.muli %parallel_loop3A_148, %parallel_loop3A_53 : i32
        %parallel_loop3A_150 = arith.constant 6 : i32
        %parallel_loop3A_151 = arith.addi %parallel_loop3A_150, %parallel_loop3A_149 : i32
        %parallel_loop3A_152 = arith.index_cast %parallel_loop3A_151 : i32 to index
        %parallel_loop3A_153 = arith.index_cast %parallel_loop3A_26 : i32 to index
        %parallel_loop3A_154 = tpu.vector_load %arg6[%parallel_loop3A_152, %parallel_loop3A_153] {strides = array<i32>} : memref<200x256xi32, #tpu.memory_space<vmem>>, vector<16xi32>,
        %parallel_loop3A_155 = tpu.vector_load_idx %arg8[%parallel_loop3A_154] : memref<1000xi32, #tpu.memory_space<vmem>>[vector<16xi32>], vector<16xi32>,
        %parallel_loop3A_156 = vector.bitcast %parallel_loop3A_155 : vector<16xi32> to vector<32xbf16>
        %parallel_loop3A_157 = tpu.unpack_subelements %parallel_loop3A_156, 0 {pack_format = #tpu.pack_format<interleaved>} : vector<32xbf16> -> vector<16xf32>
        %parallel_loop3A_158 = tpu.unpack_subelements %parallel_loop3A_156, 1 {pack_format = #tpu.pack_format<interleaved>} : vector<32xbf16> -> vector<16xf32>
        %parallel_loop3A_159 = arith.addf %parallel_loop3A_66, %parallel_loop3A_157 : vector<16xf32>
        %parallel_loop3A_160 = arith.addf %parallel_loop3A_67, %parallel_loop3A_158 : vector<16xf32>
        %parallel_loop3A_161 = arith.constant 8 : i32
        %parallel_loop3A_162 = arith.muli %parallel_loop3A_161, %parallel_loop3A_53 : i32
        %parallel_loop3A_163 = arith.constant 7 : i32
        %parallel_loop3A_164 = arith.addi %parallel_loop3A_163, %parallel_loop3A_162 : i32
        %parallel_loop3A_165 = arith.index_cast %parallel_loop3A_164 : i32 to index
        %parallel_loop3A_166 = arith.index_cast %parallel_loop3A_26 : i32 to index
        %parallel_loop3A_167 = tpu.vector_load %arg6[%parallel_loop3A_165, %parallel_loop3A_166] {strides = array<i32>} : memref<200x256xi32, #tpu.memory_space<vmem>>, vector<16xi32>,
        %parallel_loop3A_168 = tpu.vector_load_idx %arg8[%parallel_loop3A_167] : memref<1000xi32, #tpu.memory_space<vmem>>[vector<16xi32>], vector<16xi32>,
        %parallel_loop3A_169 = vector.bitcast %parallel_loop3A_168 : vector<16xi32> to vector<32xbf16>
        %parallel_loop3A_170 = tpu.unpack_subelements %parallel_loop3A_169, 0 {pack_format = #tpu.pack_format<interleaved>} : vector<32xbf16> -> vector<16xf32>
        %parallel_loop3A_171 = tpu.unpack_subelements %parallel_loop3A_169, 1 {pack_format = #tpu.pack_format<interleaved>} : vector<32xbf16> -> vector<16xf32>
        %parallel_loop3A_172 = arith.addf %parallel_loop3A_68, %parallel_loop3A_170 : vector<16xf32>
        %parallel_loop3A_173 = arith.addf %parallel_loop3A_69, %parallel_loop3A_171 : vector<16xf32>
        scf.yield %parallel_loop3A_81, %parallel_loop3A_82, %parallel_loop3A_94, %parallel_loop3A_95, %parallel_loop3A_107, %parallel_loop3A_108, %parallel_loop3A_120, %parallel_loop3A_121, %parallel_loop3A_133, %parallel_loop3A_134, %parallel_loop3A_146, %parallel_loop3A_147, %parallel_loop3A_159, %parallel_loop3A_160, %parallel_loop3A_172, %parallel_loop3A_173 : vector<16xf32>, vector<16xf32>, vector<16xf32>, vector<16xf32>, vector<16xf32>, vector<16xf32>, vector<16xf32>, vector<16xf32>, vector<16xf32>, vector<16xf32>, vector<16xf32>, vector<16xf32>, vector<16xf32>, vector<16xf32>, vector<16xf32>, vector<16xf32>
      } {sc.loop_unroll_factor = 2 : i64, sc.parallel_access}
      %parallel_loop3A_33 = arith.addf %parallel_loop3A_32#0, %parallel_loop3A_32#2 : vector<16xf32>
      %parallel_loop3A_34 = arith.addf %parallel_loop3A_32#4, %parallel_loop3A_32#6 : vector<16xf32>
      %parallel_loop3A_35 = arith.addf %parallel_loop3A_32#8, %parallel_loop3A_32#10 : vector<16xf32>
      %parallel_loop3A_36 = arith.addf %parallel_loop3A_32#12, %parallel_loop3A_32#14 : vector<16xf32>
      %parallel_loop3A_37 = arith.addf %parallel_loop3A_33, %parallel_loop3A_34 : vector<16xf32>
      %parallel_loop3A_38 = arith.addf %parallel_loop3A_35, %parallel_loop3A_36 : vector<16xf32>
      %parallel_loop3A_39 = arith.addf %parallel_loop3A_37, %parallel_loop3A_38 : vector<16xf32>
      %parallel_loop3A_40 = arith.addf %parallel_loop3A_32#1, %parallel_loop3A_32#3 : vector<16xf32>
      %parallel_loop3A_41 = arith.addf %parallel_loop3A_32#5, %parallel_loop3A_32#7 : vector<16xf32>
      %parallel_loop3A_42 = arith.addf %parallel_loop3A_32#9, %parallel_loop3A_32#11 : vector<16xf32>
      %parallel_loop3A_43 = arith.addf %parallel_loop3A_32#13, %parallel_loop3A_32#15 : vector<16xf32>
      %parallel_loop3A_44 = arith.addf %parallel_loop3A_40, %parallel_loop3A_41 : vector<16xf32>
      %parallel_loop3A_45 = arith.addf %parallel_loop3A_42, %parallel_loop3A_43 : vector<16xf32>
      %parallel_loop3A_46 = arith.addf %parallel_loop3A_44, %parallel_loop3A_45 : vector<16xf32>
      %parallel_loop3A_47 = arith.constant 0 : i32
      %parallel_loop3A_48 = arith.addi %parallel_loop3A_47, %parallel_loop3A_26 : i32
      %parallel_loop3A_49 = arith.index_cast %parallel_loop3A_48 : i32 to index
      %parallel_loop3A_50 = tpu.vector_load %arg9[%parallel_loop3A_49] {strides = array<i32>} : memref<512xf32, #tpu.memory_space<vmem>>, vector<16xf32>,
      tpu.vector_store %arg9[%parallel_loop3A_49], %parallel_loop3A_39 {strides = array<i32>} : memref<512xf32, #tpu.memory_space<vmem>>, vector<16xf32>,
      %parallel_loop3A_51 = arith.index_cast %parallel_loop3A_48 : i32 to index
      %parallel_loop3A_52 = tpu.vector_load %arg10[%parallel_loop3A_51] {strides = array<i32>} : memref<512xf32, #tpu.memory_space<vmem>>, vector<16xf32>,
      tpu.vector_store %arg10[%parallel_loop3A_51], %parallel_loop3A_46 {strides = array<i32>} : memref<512xf32, #tpu.memory_space<vmem>>, vector<16xf32>,
    } {sc.loop_unroll_factor = 1 : i64, sc.parallel_access}
    %dma_wait3A_17 = arith.constant 0 : i32
    %dma_wait3A_18 = tpu.memref_slice %arg3[%dma_wait3A_17, %add3A_7] : memref<200x16384xi32, #tpu.memory_space<hbm>> -> memref<200x256xi32, #tpu.memory_space<hbm>>
    %dma_wait3A_19 = arith.constant 0 : i32
    %dma_wait3A_20 = tpu.memref_slice %arg3[%dma_wait3A_19, %add3A_7] : memref<200x16384xi32, #tpu.memory_space<hbm>> -> memref<200x256xi32, #tpu.memory_space<hbm>>
    tpu.wait_dma2 semaphore(%arg12 : memref<!tpu.dma_semaphore, #tpu.memory_space<semaphore_mem>>) src(%dma_wait3A_20 : memref<200x256xi32, #tpu.memory_space<hbm>>) dst(%arg7 : memref<200x256xi32, #tpu.memory_space<vmem>>)
    %parallel_loop3A_21 = arith.constant 0 : i32
    %parallel_loop3A_22 = arith.constant 16 : i32
    %parallel_loop3A_23 = arith.constant 1 : i32
    scf.for %parallel_loop3A_24 = %parallel_loop3A_21 to %parallel_loop3A_22 step %parallel_loop3A_23  : i32 {
      %parallel_loop3A_25 = arith.constant 16 : i32
      %parallel_loop3A_26 = arith.muli %parallel_loop3A_24, %parallel_loop3A_25 : i32
      %parallel_loop3A_27 = arith.constant 0.000000e+00 : f32
      %parallel_loop3A_28 = vector.broadcast %parallel_loop3A_27 : f32 to vector<16xf32>
      %parallel_loop3A_29 = arith.constant 0 : i32
      %parallel_loop3A_30 = arith.constant 25 : i32
      %parallel_loop3A_31 = arith.constant 1 : i32
      %parallel_loop3A_32:16 = scf.for %parallel_loop3A_53 = %parallel_loop3A_29 to %parallel_loop3A_30 step %parallel_loop3A_31 iter_args(%parallel_loop3A_54 = %parallel_loop3A_28, %parallel_loop3A_55 = %parallel_loop3A_28, %parallel_loop3A_56 = %parallel_loop3A_28, %parallel_loop3A_57 = %parallel_loop3A_28, %parallel_loop3A_58 = %parallel_loop3A_28, %parallel_loop3A_59 = %parallel_loop3A_28, %parallel_loop3A_60 = %parallel_loop3A_28, %parallel_loop3A_61 = %parallel_loop3A_28, %parallel_loop3A_62 = %parallel_loop3A_28, %parallel_loop3A_63 = %parallel_loop3A_28, %parallel_loop3A_64 = %parallel_loop3A_28, %parallel_loop3A_65 = %parallel_loop3A_28, %parallel_loop3A_66 = %parallel_loop3A_28, %parallel_loop3A_67 = %parallel_loop3A_28, %parallel_loop3A_68 = %parallel_loop3A_28, %parallel_loop3A_69 = %parallel_loop3A_28) -> (vector<16xf32>, vector<16xf32>, vector<16xf32>, vector<16xf32>, vector<16xf32>, vector<16xf32>, vector<16xf32>, vector<16xf32>, vector<16xf32>, vector<16xf32>, vector<16xf32>, vector<16xf32>, vector<16xf32>, vector<16xf32>, vector<16xf32>, vector<16xf32>)  : i32 {
        %parallel_loop3A_70 = arith.constant 8 : i32
        %parallel_loop3A_71 = arith.muli %parallel_loop3A_70, %parallel_loop3A_53 : i32
        %parallel_loop3A_72 = arith.constant 0 : i32
        %parallel_loop3A_73 = arith.addi %parallel_loop3A_72, %parallel_loop3A_71 : i32
        %parallel_loop3A_74 = arith.index_cast %parallel_loop3A_73 : i32 to index
        %parallel_loop3A_75 = arith.index_cast %parallel_loop3A_26 : i32 to index
        %parallel_loop3A_76 = tpu.vector_load %arg7[%parallel_loop3A_74, %parallel_loop3A_75] {strides = array<i32>} : memref<200x256xi32, #tpu.memory_space<vmem>>, vector<16xi32>,
        %parallel_loop3A_77 = tpu.vector_load_idx %arg8[%parallel_loop3A_76] : memref<1000xi32, #tpu.memory_space<vmem>>[vector<16xi32>], vector<16xi32>,
        %parallel_loop3A_78 = vector.bitcast %parallel_loop3A_77 : vector<16xi32> to vector<32xbf16>
        %parallel_loop3A_79 = tpu.unpack_subelements %parallel_loop3A_78, 0 {pack_format = #tpu.pack_format<interleaved>} : vector<32xbf16> -> vector<16xf32>
        %parallel_loop3A_80 = tpu.unpack_subelements %parallel_loop3A_78, 1 {pack_format = #tpu.pack_format<interleaved>} : vector<32xbf16> -> vector<16xf32>
        %parallel_loop3A_81 = arith.addf %parallel_loop3A_54, %parallel_loop3A_79 : vector<16xf32>
        %parallel_loop3A_82 = arith.addf %parallel_loop3A_55, %parallel_loop3A_80 : vector<16xf32>
        %parallel_loop3A_83 = arith.constant 8 : i32
        %parallel_loop3A_84 = arith.muli %parallel_loop3A_83, %parallel_loop3A_53 : i32
        %parallel_loop3A_85 = arith.constant 1 : i32
        %parallel_loop3A_86 = arith.addi %parallel_loop3A_85, %parallel_loop3A_84 : i32
        %parallel_loop3A_87 = arith.index_cast %parallel_loop3A_86 : i32 to index
        %parallel_loop3A_88 = arith.index_cast %parallel_loop3A_26 : i32 to index
        %parallel_loop3A_89 = tpu.vector_load %arg7[%parallel_loop3A_87, %parallel_loop3A_88] {strides = array<i32>} : memref<200x256xi32, #tpu.memory_space<vmem>>, vector<16xi32>,
        %parallel_loop3A_90 = tpu.vector_load_idx %arg8[%parallel_loop3A_89] : memref<1000xi32, #tpu.memory_space<vmem>>[vector<16xi32>], vector<16xi32>,
        %parallel_loop3A_91 = vector.bitcast %parallel_loop3A_90 : vector<16xi32> to vector<32xbf16>
        %parallel_loop3A_92 = tpu.unpack_subelements %parallel_loop3A_91, 0 {pack_format = #tpu.pack_format<interleaved>} : vector<32xbf16> -> vector<16xf32>
        %parallel_loop3A_93 = tpu.unpack_subelements %parallel_loop3A_91, 1 {pack_format = #tpu.pack_format<interleaved>} : vector<32xbf16> -> vector<16xf32>
        %parallel_loop3A_94 = arith.addf %parallel_loop3A_56, %parallel_loop3A_92 : vector<16xf32>
        %parallel_loop3A_95 = arith.addf %parallel_loop3A_57, %parallel_loop3A_93 : vector<16xf32>
        %parallel_loop3A_96 = arith.constant 8 : i32
        %parallel_loop3A_97 = arith.muli %parallel_loop3A_96, %parallel_loop3A_53 : i32
        %parallel_loop3A_98 = arith.constant 2 : i32
        %parallel_loop3A_99 = arith.addi %parallel_loop3A_98, %parallel_loop3A_97 : i32
        %parallel_loop3A_100 = arith.index_cast %parallel_loop3A_99 : i32 to index
        %parallel_loop3A_101 = arith.index_cast %parallel_loop3A_26 : i32 to index
        %parallel_loop3A_102 = tpu.vector_load %arg7[%parallel_loop3A_100, %parallel_loop3A_101] {strides = array<i32>} : memref<200x256xi32, #tpu.memory_space<vmem>>, vector<16xi32>,
        %parallel_loop3A_103 = tpu.vector_load_idx %arg8[%parallel_loop3A_102] : memref<1000xi32, #tpu.memory_space<vmem>>[vector<16xi32>], vector<16xi32>,
        %parallel_loop3A_104 = vector.bitcast %parallel_loop3A_103 : vector<16xi32> to vector<32xbf16>
        %parallel_loop3A_105 = tpu.unpack_subelements %parallel_loop3A_104, 0 {pack_format = #tpu.pack_format<interleaved>} : vector<32xbf16> -> vector<16xf32>
        %parallel_loop3A_106 = tpu.unpack_subelements %parallel_loop3A_104, 1 {pack_format = #tpu.pack_format<interleaved>} : vector<32xbf16> -> vector<16xf32>
        %parallel_loop3A_107 = arith.addf %parallel_loop3A_58, %parallel_loop3A_105 : vector<16xf32>
        %parallel_loop3A_108 = arith.addf %parallel_loop3A_59, %parallel_loop3A_106 : vector<16xf32>
        %parallel_loop3A_109 = arith.constant 8 : i32
        %parallel_loop3A_110 = arith.muli %parallel_loop3A_109, %parallel_loop3A_53 : i32
        %parallel_loop3A_111 = arith.constant 3 : i32
        %parallel_loop3A_112 = arith.addi %parallel_loop3A_111, %parallel_loop3A_110 : i32
        %parallel_loop3A_113 = arith.index_cast %parallel_loop3A_112 : i32 to index
        %parallel_loop3A_114 = arith.index_cast %parallel_loop3A_26 : i32 to index
        %parallel_loop3A_115 = tpu.vector_load %arg7[%parallel_loop3A_113, %parallel_loop3A_114] {strides = array<i32>} : memref<200x256xi32, #tpu.memory_space<vmem>>, vector<16xi32>,
        %parallel_loop3A_116 = tpu.vector_load_idx %arg8[%parallel_loop3A_115] : memref<1000xi32, #tpu.memory_space<vmem>>[vector<16xi32>], vector<16xi32>,
        %parallel_loop3A_117 = vector.bitcast %parallel_loop3A_116 : vector<16xi32> to vector<32xbf16>
        %parallel_loop3A_118 = tpu.unpack_subelements %parallel_loop3A_117, 0 {pack_format = #tpu.pack_format<interleaved>} : vector<32xbf16> -> vector<16xf32>
        %parallel_loop3A_119 = tpu.unpack_subelements %parallel_loop3A_117, 1 {pack_format = #tpu.pack_format<interleaved>} : vector<32xbf16> -> vector<16xf32>
        %parallel_loop3A_120 = arith.addf %parallel_loop3A_60, %parallel_loop3A_118 : vector<16xf32>
        %parallel_loop3A_121 = arith.addf %parallel_loop3A_61, %parallel_loop3A_119 : vector<16xf32>
        %parallel_loop3A_122 = arith.constant 8 : i32
        %parallel_loop3A_123 = arith.muli %parallel_loop3A_122, %parallel_loop3A_53 : i32
        %parallel_loop3A_124 = arith.constant 4 : i32
        %parallel_loop3A_125 = arith.addi %parallel_loop3A_124, %parallel_loop3A_123 : i32
        %parallel_loop3A_126 = arith.index_cast %parallel_loop3A_125 : i32 to index
        %parallel_loop3A_127 = arith.index_cast %parallel_loop3A_26 : i32 to index
        %parallel_loop3A_128 = tpu.vector_load %arg7[%parallel_loop3A_126, %parallel_loop3A_127] {strides = array<i32>} : memref<200x256xi32, #tpu.memory_space<vmem>>, vector<16xi32>,
        %parallel_loop3A_129 = tpu.vector_load_idx %arg8[%parallel_loop3A_128] : memref<1000xi32, #tpu.memory_space<vmem>>[vector<16xi32>], vector<16xi32>,
        %parallel_loop3A_130 = vector.bitcast %parallel_loop3A_129 : vector<16xi32> to vector<32xbf16>
        %parallel_loop3A_131 = tpu.unpack_subelements %parallel_loop3A_130, 0 {pack_format = #tpu.pack_format<interleaved>} : vector<32xbf16> -> vector<16xf32>
        %parallel_loop3A_132 = tpu.unpack_subelements %parallel_loop3A_130, 1 {pack_format = #tpu.pack_format<interleaved>} : vector<32xbf16> -> vector<16xf32>
        %parallel_loop3A_133 = arith.addf %parallel_loop3A_62, %parallel_loop3A_131 : vector<16xf32>
        %parallel_loop3A_134 = arith.addf %parallel_loop3A_63, %parallel_loop3A_132 : vector<16xf32>
        %parallel_loop3A_135 = arith.constant 8 : i32
        %parallel_loop3A_136 = arith.muli %parallel_loop3A_135, %parallel_loop3A_53 : i32
        %parallel_loop3A_137 = arith.constant 5 : i32
        %parallel_loop3A_138 = arith.addi %parallel_loop3A_137, %parallel_loop3A_136 : i32
        %parallel_loop3A_139 = arith.index_cast %parallel_loop3A_138 : i32 to index
        %parallel_loop3A_140 = arith.index_cast %parallel_loop3A_26 : i32 to index
        %parallel_loop3A_141 = tpu.vector_load %arg7[%parallel_loop3A_139, %parallel_loop3A_140] {strides = array<i32>} : memref<200x256xi32, #tpu.memory_space<vmem>>, vector<16xi32>,
        %parallel_loop3A_142 = tpu.vector_load_idx %arg8[%parallel_loop3A_141] : memref<1000xi32, #tpu.memory_space<vmem>>[vector<16xi32>], vector<16xi32>,
        %parallel_loop3A_143 = vector.bitcast %parallel_loop3A_142 : vector<16xi32> to vector<32xbf16>
        %parallel_loop3A_144 = tpu.unpack_subelements %parallel_loop3A_143, 0 {pack_format = #tpu.pack_format<interleaved>} : vector<32xbf16> -> vector<16xf32>
        %parallel_loop3A_145 = tpu.unpack_subelements %parallel_loop3A_143, 1 {pack_format = #tpu.pack_format<interleaved>} : vector<32xbf16> -> vector<16xf32>
        %parallel_loop3A_146 = arith.addf %parallel_loop3A_64, %parallel_loop3A_144 : vector<16xf32>
        %parallel_loop3A_147 = arith.addf %parallel_loop3A_65, %parallel_loop3A_145 : vector<16xf32>
        %parallel_loop3A_148 = arith.constant 8 : i32
        %parallel_loop3A_149 = arith.muli %parallel_loop3A_148, %parallel_loop3A_53 : i32
        %parallel_loop3A_150 = arith.constant 6 : i32
        %parallel_loop3A_151 = arith.addi %parallel_loop3A_150, %parallel_loop3A_149 : i32
        %parallel_loop3A_152 = arith.index_cast %parallel_loop3A_151 : i32 to index
        %parallel_loop3A_153 = arith.index_cast %parallel_loop3A_26 : i32 to index
        %parallel_loop3A_154 = tpu.vector_load %arg7[%parallel_loop3A_152, %parallel_loop3A_153] {strides = array<i32>} : memref<200x256xi32, #tpu.memory_space<vmem>>, vector<16xi32>,
        %parallel_loop3A_155 = tpu.vector_load_idx %arg8[%parallel_loop3A_154] : memref<1000xi32, #tpu.memory_space<vmem>>[vector<16xi32>], vector<16xi32>,
        %parallel_loop3A_156 = vector.bitcast %parallel_loop3A_155 : vector<16xi32> to vector<32xbf16>
        %parallel_loop3A_157 = tpu.unpack_subelements %parallel_loop3A_156, 0 {pack_format = #tpu.pack_format<interleaved>} : vector<32xbf16> -> vector<16xf32>
        %parallel_loop3A_158 = tpu.unpack_subelements %parallel_loop3A_156, 1 {pack_format = #tpu.pack_format<interleaved>} : vector<32xbf16> -> vector<16xf32>
        %parallel_loop3A_159 = arith.addf %parallel_loop3A_66, %parallel_loop3A_157 : vector<16xf32>
        %parallel_loop3A_160 = arith.addf %parallel_loop3A_67, %parallel_loop3A_158 : vector<16xf32>
        %parallel_loop3A_161 = arith.constant 8 : i32
        %parallel_loop3A_162 = arith.muli %parallel_loop3A_161, %parallel_loop3A_53 : i32
        %parallel_loop3A_163 = arith.constant 7 : i32
        %parallel_loop3A_164 = arith.addi %parallel_loop3A_163, %parallel_loop3A_162 : i32
        %parallel_loop3A_165 = arith.index_cast %parallel_loop3A_164 : i32 to index
        %parallel_loop3A_166 = arith.index_cast %parallel_loop3A_26 : i32 to index
        %parallel_loop3A_167 = tpu.vector_load %arg7[%parallel_loop3A_165, %parallel_loop3A_166] {strides = array<i32>} : memref<200x256xi32, #tpu.memory_space<vmem>>, vector<16xi32>,
        %parallel_loop3A_168 = tpu.vector_load_idx %arg8[%parallel_loop3A_167] : memref<1000xi32, #tpu.memory_space<vmem>>[vector<16xi32>], vector<16xi32>,
        %parallel_loop3A_169 = vector.bitcast %parallel_loop3A_168 : vector<16xi32> to vector<32xbf16>
        %parallel_loop3A_170 = tpu.unpack_subelements %parallel_loop3A_169, 0 {pack_format = #tpu.pack_format<interleaved>} : vector<32xbf16> -> vector<16xf32>
        %parallel_loop3A_171 = tpu.unpack_subelements %parallel_loop3A_169, 1 {pack_format = #tpu.pack_format<interleaved>} : vector<32xbf16> -> vector<16xf32>
        %parallel_loop3A_172 = arith.addf %parallel_loop3A_68, %parallel_loop3A_170 : vector<16xf32>
        %parallel_loop3A_173 = arith.addf %parallel_loop3A_69, %parallel_loop3A_171 : vector<16xf32>
        scf.yield %parallel_loop3A_81, %parallel_loop3A_82, %parallel_loop3A_94, %parallel_loop3A_95, %parallel_loop3A_107, %parallel_loop3A_108, %parallel_loop3A_120, %parallel_loop3A_121, %parallel_loop3A_133, %parallel_loop3A_134, %parallel_loop3A_146, %parallel_loop3A_147, %parallel_loop3A_159, %parallel_loop3A_160, %parallel_loop3A_172, %parallel_loop3A_173 : vector<16xf32>, vector<16xf32>, vector<16xf32>, vector<16xf32>, vector<16xf32>, vector<16xf32>, vector<16xf32>, vector<16xf32>, vector<16xf32>, vector<16xf32>, vector<16xf32>, vector<16xf32>, vector<16xf32>, vector<16xf32>, vector<16xf32>, vector<16xf32>
      } {sc.loop_unroll_factor = 2 : i64, sc.parallel_access}
      %parallel_loop3A_33 = arith.addf %parallel_loop3A_32#0, %parallel_loop3A_32#2 : vector<16xf32>
      %parallel_loop3A_34 = arith.addf %parallel_loop3A_32#4, %parallel_loop3A_32#6 : vector<16xf32>
      %parallel_loop3A_35 = arith.addf %parallel_loop3A_32#8, %parallel_loop3A_32#10 : vector<16xf32>
      %parallel_loop3A_36 = arith.addf %parallel_loop3A_32#12, %parallel_loop3A_32#14 : vector<16xf32>
      %parallel_loop3A_37 = arith.addf %parallel_loop3A_33, %parallel_loop3A_34 : vector<16xf32>
      %parallel_loop3A_38 = arith.addf %parallel_loop3A_35, %parallel_loop3A_36 : vector<16xf32>
      %parallel_loop3A_39 = arith.addf %parallel_loop3A_37, %parallel_loop3A_38 : vector<16xf32>
      %parallel_loop3A_40 = arith.addf %parallel_loop3A_32#1, %parallel_loop3A_32#3 : vector<16xf32>
      %parallel_loop3A_41 = arith.addf %parallel_loop3A_32#5, %parallel_loop3A_32#7 : vector<16xf32>
      %parallel_loop3A_42 = arith.addf %parallel_loop3A_32#9, %parallel_loop3A_32#11 : vector<16xf32>
      %parallel_loop3A_43 = arith.addf %parallel_loop3A_32#13, %parallel_loop3A_32#15 : vector<16xf32>
      %parallel_loop3A_44 = arith.addf %parallel_loop3A_40, %parallel_loop3A_41 : vector<16xf32>
      %parallel_loop3A_45 = arith.addf %parallel_loop3A_42, %parallel_loop3A_43 : vector<16xf32>
      %parallel_loop3A_46 = arith.addf %parallel_loop3A_44, %parallel_loop3A_45 : vector<16xf32>
      %parallel_loop3A_47 = arith.constant 256 : i32
      %parallel_loop3A_48 = arith.addi %parallel_loop3A_47, %parallel_loop3A_26 : i32
      %parallel_loop3A_49 = arith.index_cast %parallel_loop3A_48 : i32 to index
      %parallel_loop3A_50 = tpu.vector_load %arg9[%parallel_loop3A_49] {strides = array<i32>} : memref<512xf32, #tpu.memory_space<vmem>>, vector<16xf32>,
      tpu.vector_store %arg9[%parallel_loop3A_49], %parallel_loop3A_39 {strides = array<i32>} : memref<512xf32, #tpu.memory_space<vmem>>, vector<16xf32>,
      %parallel_loop3A_51 = arith.index_cast %parallel_loop3A_48 : i32 to index
      %parallel_loop3A_52 = tpu.vector_load %arg10[%parallel_loop3A_51] {strides = array<i32>} : memref<512xf32, #tpu.memory_space<vmem>>, vector<16xf32>,
      tpu.vector_store %arg10[%parallel_loop3A_51], %parallel_loop3A_46 {strides = array<i32>} : memref<512xf32, #tpu.memory_space<vmem>>, vector<16xf32>,
    } {sc.loop_unroll_factor = 1 : i64, sc.parallel_access}
    "tpu.region"() ({
      %run_scoped3A = tpu.sem_alloc : memref<!tpu.dma_semaphore, #tpu.memory_space<semaphore_mem>>
      %dma_start3A_24 = tpu.memref_slice %arg4[%mul3A_2] : memref<16384xf32, #tpu.memory_space<hbm>> -> memref<512xf32, #tpu.memory_space<hbm>>
      %dma_start3A_25 = tpu.memref_slice %arg4[%mul3A_2] : memref<16384xf32, #tpu.memory_space<hbm>> -> memref<512xf32, #tpu.memory_space<hbm>>
      tpu.enqueue_dma source(%arg9 : memref<512xf32, #tpu.memory_space<vmem>>) target(%dma_start3A_25 : memref<512xf32, #tpu.memory_space<hbm>>) target_semaphore(%run_scoped3A : memref<!tpu.dma_semaphore, #tpu.memory_space<semaphore_mem>>)
      %dma_wait3A_26 = tpu.memref_slice %arg4[%mul3A_2] : memref<16384xf32, #tpu.memory_space<hbm>> -> memref<512xf32, #tpu.memory_space<hbm>>
      %dma_wait3A_27 = tpu.memref_slice %arg4[%mul3A_2] : memref<16384xf32, #tpu.memory_space<hbm>> -> memref<512xf32, #tpu.memory_space<hbm>>
      tpu.wait_dma2 semaphore(%run_scoped3A : memref<!tpu.dma_semaphore, #tpu.memory_space<semaphore_mem>>) src(%arg9 : memref<512xf32, #tpu.memory_space<vmem>>) dst(%dma_wait3A_27 : memref<512xf32, #tpu.memory_space<hbm>>)
      tpu.yield
    }) : () -> ()
    "tpu.region"() ({
      %run_scoped3A = tpu.sem_alloc : memref<!tpu.dma_semaphore, #tpu.memory_space<semaphore_mem>>
      %dma_start3A_24 = tpu.memref_slice %arg5[%mul3A_2] : memref<16384xf32, #tpu.memory_space<hbm>> -> memref<512xf32, #tpu.memory_space<hbm>>
      %dma_start3A_25 = tpu.memref_slice %arg5[%mul3A_2] : memref<16384xf32, #tpu.memory_space<hbm>> -> memref<512xf32, #tpu.memory_space<hbm>>
      tpu.enqueue_dma source(%arg10 : memref<512xf32, #tpu.memory_space<vmem>>) target(%dma_start3A_25 : memref<512xf32, #tpu.memory_space<hbm>>) target_semaphore(%run_scoped3A : memref<!tpu.dma_semaphore, #tpu.memory_space<semaphore_mem>>)
      %dma_wait3A_26 = tpu.memref_slice %arg5[%mul3A_2] : memref<16384xf32, #tpu.memory_space<hbm>> -> memref<512xf32, #tpu.memory_space<hbm>>
      %dma_wait3A_27 = tpu.memref_slice %arg5[%mul3A_2] : memref<16384xf32, #tpu.memory_space<hbm>> -> memref<512xf32, #tpu.memory_space<hbm>>
      tpu.wait_dma2 semaphore(%run_scoped3A : memref<!tpu.dma_semaphore, #tpu.memory_space<semaphore_mem>>) src(%arg10 : memref<512xf32, #tpu.memory_space<vmem>>) dst(%dma_wait3A_27 : memref<512xf32, #tpu.memory_space<hbm>>)
      tpu.yield
    }) : () -> ()
    return
  }
}

module attributes {stable_mosaic.version = 14 : i64} {
  func.func @_table_body(%arg0: memref<1000x128xf32, #tpu.memory_space<vmem>>, %arg1: memref<256xf32, #tpu.memory_space<vmem>>, %arg2: memref<2xf32, #tpu.memory_space<vmem>>, %arg3: memref<1000xi32, #tpu.memory_space<vmem>>) attributes {dimension_semantics = [], scalar_prefetch = 0 : i64, scratch_operands = 0 : i64, tpu.core_type = #tpu.core_type<tc>} {
    %get3A = arith.constant 0 : index
    %get3A_0 = vector.load %arg1[%get3A] : memref<256xf32, #tpu.memory_space<vmem>>, vector<256xf32>
    %reshape3A = vector.shape_cast %get3A_0 : vector<256xf32> to vector<2x128xf32>
    %get3A_1 = arith.constant 0 : index
    %get3A_2 = arith.constant 0 : index
    %get3A_3 = vector.load %arg0[%get3A_1, %get3A_2] : memref<1000x128xf32, #tpu.memory_space<vmem>>, vector<1000x128xf32>
    %dot_general3A = arith.constant dense<0.000000e+00> : vector<2x1000xf32>
    %dot_general3A_4 = tpu.matmul %reshape3A, %get3A_3, %dot_general3A {dimension_numbers = #tpu.dot_dimension_numbers<[1], [1], [0], [0], [0, 0, 1, 0], [], []>, transpose_lhs_hint = false} : vector<2x128xf32>, vector<1000x128xf32>, vector<2x1000xf32> -> vector<2x1000xf32>
    %get3A_5 = arith.constant 0 : index
    %get3A_6 = vector.load %arg2[%get3A_5] : memref<2xf32, #tpu.memory_space<vmem>>, vector<2xf32>
    %reshape3A_7 = vector.shape_cast %get3A_6 : vector<2xf32> to vector<2x1xf32>
    %add3A = vector.broadcast %reshape3A_7 : vector<2x1xf32> to vector<2x1000xf32>
    %add3A_8 = arith.addf %dot_general3A_4, %add3A : vector<2x1000xf32>
    %mul3A = arith.constant 5.000000e-03 : f32
    %mul3A_9 = vector.broadcast %mul3A : f32 to vector<2x1000xf32>
    %mul3A_10 = arith.mulf %add3A_8, %mul3A_9 : vector<2x1000xf32>
    %convert_element_type3A = arith.truncf %mul3A_10 : vector<2x1000xf32> to vector<2x1000xbf16>
    %bitcast_convert_type3A = tpu.bitcast %convert_element_type3A : vector<2x1000xbf16> -> vector<2x1000xi16>
    %convert_element_type3A_11 = arith.extui %bitcast_convert_type3A : vector<2x1000xi16> to vector<2x1000xi32>
    %slice3A = vector.extract_strided_slice %convert_element_type3A_11 {offsets = [0, 0], sizes = [1, 1000], strides = [1, 1]} : vector<2x1000xi32> to vector<1x1000xi32>
    %squeeze3A = vector.shape_cast %slice3A : vector<1x1000xi32> to vector<1000xi32>
    %slice3A_12 = vector.extract_strided_slice %convert_element_type3A_11 {offsets = [1, 0], sizes = [1, 1000], strides = [1, 1]} : vector<2x1000xi32> to vector<1x1000xi32>
    %squeeze3A_13 = vector.shape_cast %slice3A_12 : vector<1x1000xi32> to vector<1000xi32>
    %shift_left3A = arith.constant 16 : i32
    %shift_left3A_14 = vector.broadcast %shift_left3A : i32 to vector<1000xi32>
    %shift_left3A_15 = arith.shli %squeeze3A_13, %shift_left3A_14 : vector<1000xi32>
    %or3A = arith.ori %squeeze3A, %shift_left3A_15 : vector<1000xi32>
    %swap3A = arith.constant 0 : index
    %swap3A_16 = vector.load %arg3[%swap3A] : memref<1000xi32, #tpu.memory_space<vmem>>, vector<1000xi32>
    tpu.vector_store %arg3[%swap3A], %or3A {strides = array<i32>} : memref<1000xi32, #tpu.memory_space<vmem>>, vector<1000xi32>,
    return
  }
}

</mosaic_0001>

<sc_bundles>
// kernel: kernel.4.cloned.1.call-start
scs
__scs_entry_jumppad:
0x0: {  	(pc) =	sbr.rel $0x88, $3  }
0x1: {  	(tag) =	ssettag $0x0;
	lr =	simm.s32 $0x1  }
0x2: {  	[smem:$0x3F9D] =	sst lr;
	_ =	strace $0xD0000000  }
0x3: {  	_ = 	snop  }
0x4: {  	_ = 	snop  }
0x5: {  	_ = 	snop  }
0x6: {  	_ = 	snop  }
0x7: {  	_ = 	snop  }
__scs_overlays_trampoline_lowered:
0x8: {  	[smem:$0x3FAC] =	sst s0  }
0x9: {  	[smem:$0x3FAD] =	sst s1  }
0xa: {  	[smem:$0x3FAE] =	sst s2  }
0xb: {  	[smem:$0x3FAF] =	sst s3  }
0xc: {  	[smem:$0x3FB0] =	sst s4  }
0xd: {  	[smem:$0x3FB1] =	sst s5  }
0xe: {  	[smem:$0x3FB2] =	sst s6  }
0xf: {  	[smem:$0x3FB3] =	sst s7  }
0x10: {  	[smem:$0x3FB4] =	sst s8  }
0x11: {  	[smem:$0x3FB5] =	sst s9;
	s0 =	simm.s32 @!p0 $0x0  }
0x12: {  	s1 =	sld [smem:$0x3F9B];
	s0 =	simm.s32 @p0 $0x1  }
0x13: {  	[smem:$0x3FB6] =	sst s0;
	s0 =	simm.s32 @!p1 $0x0  }
0x14: {  	s2 =	sld [smem:$0x3F9A];
	s0 =	simm.s32 @p1 $0x1  }
0x15: {  	[smem:$0x3FB7] =	sst s0;
	s0 =	simm.s32 @!p2 $0x0  }
0x16: {  	s3 =	sld [smem:$0x3FDB];
	s0 =	simm.s32 @p2 $0x1  }
0x17: {  	s4 =	simm.s32 $0x1BF5;
	[smem:$0x3FB9] =	sst s0  }
0x18: {  	s0 =	sld [smem:$0x3F9C];
	_ =	swait.ge [sflag:s4], $0x0  }
0x19: {  	s7 =	sld [smem:$0x3F9D]  }
0x1a: {  	s8 =	sadd.s32 $0xFFFFE003, lr  }
0x1b: {  	s9 =	sadd.s32 $0xFFFFFEF7, lr;
	s5 =	simm.s32 $0xFFFFFFFF;
	p2 =	slt.u32 s8, $0xFFFFF086  }
0x1c: {  	p1 =	slt.u32 s9, $0xF7A;
	s5 =	simm.s32 @!p2 $0x0  }
0x1d: {  	s5 =	simm.s32 @p1 $0x1;
	p0 =	seq.s32 s7, s2  }
0x1e: {  	s7 =	smul.u32 @!p0 $0xF7A, s2;
	p2 =	seq.s32 @!p0 s5, $0x0  }
0x1f: {  	s9 =	smul.u32 $0xF7A, s1;
	s8 =	simm.s32 @!p0 $0x1BF5;
	p2 =	por !p2, p0  }
0x20: {  	[sflag:s8] =	ssyncset.s32 @!p0 $0xFFFFF086;
	s6 =	sadd.s32 @!p0 s3, s7;
	s7 =	simm.s32 @!p0 $0x108  }
0x21: {  	s3 =	sadd.s32 s3, s9;
	s6 =	sadd.s32 @!p0 $0x88, s6;
	s7 =	simm.s32 @p2 $0x1082  }
0x22: {  	[simem:s7], [sflag:s8] =	dma.local @!p0 [hbm:s6], $0xF7A  }
0x23: {  	s9 =	sor.u32 $0xD0000000, s2;
	s6 =	simm.s32 $0x108;
	_ =	swait.ge @!p0 [sflag:s8], $0x0  }
0x24: {  	s3 =	sadd.s32 $0x88, s3;
	s6 =	simm.s32 @!p1 $0x1082;
	[sflag:s4] =	ssyncset.s32 $0xFFFFF086  }
0x25: {  	[simem:s6], [sflag:s4] =	dma.local [hbm:s3], $0xF7A  }
0x26: {  	[smem:$0x3F9D] =	sst s1;
	(tag) =	ssettag s2;
	_ =	strace s9  }
0x27: {  	s1 =	sld [smem:$0x3FAD]  }
0x28: {  	s2 =	sld [smem:$0x3FAE]  }
0x29: {  	s4 =	sld [smem:$0x3FB0]  }
0x2a: {  	p0 =	seq.s32 s5, $0x0;
	s5 =	sld [smem:$0x3FB1]  }
0x2b: {  	s6 =	sld [smem:$0x3FB2]  }
0x2c: {  	s7 =	sld [smem:$0x3FB3]  }
0x2d: {  	s3 =	simm.s32 $0x108;
	s8 =	sld [smem:$0x3FB4]  }
0x2e: {  	s3 =	simm.s32 @!p0 $0x1082;
	s9 =	sld [smem:$0x3FB5]  }
0x2f: {  	lr =	sadd.s32 s0, s3;
	s0 =	sld [smem:$0x3FAC]  }
0x30: {  	s3 =	sld [smem:$0x3FAF]  }
0x31: {  	[smem:$0x3FB8] =	sst s10  }
0x32: {  	s10 =	sld [smem:$0x3FB6];
	_ =	sdelay $0x3  }
0x33: {  	p0 =	seq.s32 s10, $0x1;
	s10 =	sld [smem:$0x3FB8];
	_ =	sdelay $0x3  }
0x34: {  	[smem:$0x3FB8] =	sst s10  }
0x35: {  	s10 =	sld [smem:$0x3FB7];
	_ =	sdelay $0x3  }
0x36: {  	p1 =	seq.s32 s10, $0x1;
	s10 =	sld [smem:$0x3FB8];
	_ =	sdelay $0x3  }
0x37: {  	[smem:$0x3FB8] =	sst s10  }
0x38: {  	s10 =	sld [smem:$0x3FB9]  }
0x39: {  	_ = 	snop;
	(pc) =	sbr.ind lr, $3  }
0x3a: {  	_ = 	snop  }
0x3b: {  	_ = 	snop  }
0x3c: {  	p2 =	seq.s32 s10, $0x1;
	s10 =	sld [smem:$0x3FB8]  }
0x3d: {  	_ =	shalt  }
0x3e: {  	_ =	shalt  }
0x3f: {  	_ =	shalt  }
0x40: {  	_ =	shalt  }
0x41: {  	_ =	shalt  }
0x42: {  	_ =	shalt  }
0x43: {  	_ =	shalt  }
0x44: {  	_ =	shalt  }
0x45: {  	_ =	shalt  }
0x46: {  	_ =	shalt  }
0x47: {  	_ =	shalt  }
0x48: {  	_ =	shalt  }
0x49: {  	_ =	shalt  }
0x4a: {  	_ =	shalt  }
0x4b: {  	_ =	shalt  }
0x4c: {  	_ =	shalt  }
0x4d: {  	_ =	shalt  }
0x4e: {  	_ =	shalt  }
0x4f: {  	_ =	shalt  }
0x50: {  	_ =	shalt  }
0x51: {  	_ =	shalt  }
0x52: {  	_ =	shalt  }
0x53: {  	_ =	shalt  }
0x54: {  	_ =	shalt  }
0x55: {  	_ =	shalt  }
0x56: {  	_ =	shalt  }
0x57: {  	_ =	shalt  }
0x58: {  	_ =	shalt  }
0x59: {  	_ =	shalt  }
0x5a: {  	_ =	shalt  }
0x5b: {  	_ =	shalt  }
0x5c: {  	_ =	shalt  }
0x5d: {  	_ =	shalt  }
0x5e: {  	_ =	shalt  }
0x5f: {  	_ =	shalt  }
0x60: {  	_ =	shalt  }
0x61: {  	_ =	shalt  }
0x62: {  	_ =	shalt  }
0x63: {  	_ =	shalt  }
0x64: {  	_ =	shalt  }
0x65: {  	_ =	shalt  }
0x66: {  	_ =	shalt  }
0x67: {  	_ =	shalt  }
0x68: {  	_ =	shalt  }
0x69: {  	_ =	shalt  }
0x6a: {  	_ =	shalt  }
0x6b: {  	_ =	shalt  }
0x6c: {  	_ =	shalt  }
0x6d: {  	_ =	shalt  }
0x6e: {  	_ =	shalt  }
0x6f: {  	_ =	shalt  }
0x70: {  	_ =	shalt  }
0x71: {  	_ =	shalt  }
0x72: {  	_ =	shalt  }
0x73: {  	_ =	shalt  }
0x74: {  	_ =	shalt  }
0x75: {  	_ =	shalt  }
0x76: {  	_ =	shalt  }
0x77: {  	_ =	shalt  }
0x78: {  	_ =	shalt  }
0x79: {  	_ =	shalt  }
0x7a: {  	_ =	shalt  }
0x7b: {  	_ =	shalt  }
0x7c: {  	_ =	shalt  }
0x7d: {  	_ =	shalt  }
0x7e: {  	_ =	shalt  }
0x7f: {  	_ =	shalt  }
0x80: {  	_ =	shalt  }
0x81: {  	_ =	shalt  }
0x82: {  	_ =	shalt  }
0x83: {  	_ =	shalt  }
0x84: {  	_ =	shalt  }
0x85: {  	_ =	shalt  }
0x86: {  	_ =	shalt  }
0x87: {  	_ =	shalt  }
.Lfunc_end0:
.L_simem_size_0:
called_computation_lowered:
.L_overlay_start_0:
0x88: {  	s2 =	sld [smem:$0x3FD9]  }
0x89: {  	s3 =	sld [smem:$0x3FFE];
	_ =	sdelay $0x1  }
0x8a: {  	s1 =	srdreg.scid  }
0x8b: {  	s0 =	sand.u32 $0x1, s1  }
0x8c: {  	s17 =	sshll.u32 s0, $0xA;
	s2 =	sadd.s32 s3, s2  }
0x8d: {  	s2 =	sadd.s32 s2, s17  }
0x8e: {  	[smem:$0x3FC4] =	sst s2  }
0x8f: {  	_ = 	snop  }
0x90: {  	s2 =	sld [smem:$0x3FC9]  }
0x91: {  	s18 =	sld [smem:$0x3FD0];
	(tm) =	ssettm $0x1  }
0x92: {  	s4 =	sld [smem:$0x3FFB];
	_ =	sdelay $0x3  }
0x93: {  	_ =	strace s4  }
0x94: {  	s4 =	sld [smem:$0x3FFC];
	_ =	sdelay $0x3  }
0x95: {  	_ =	strace s4  }
0x96: {  	s4 =	sld [smem:$0x3FFD];
	_ =	sdelay $0x3  }
0x97: {  	_ =	strace s4  }
0x98: {  	_ =	strace $0x8FFFFFFF  }
0x99: {  	s19 =	sld [smem:$0x3FDB];
	_ =	sdelay $0x1  }
0x9a: {  	s5 =	simm.s32 $_scs_section_size  }
0x9b: {  	s6 =	simm.s32 $_size__tile_overlayer_lowered;
	s7 =	simm.s32 $_tile_overlayer_lowered  }
0x9c: {  	s22 =	simm.s32 $0x1BFF;
	s21 =	sshll.u32 s7, $0x1;
	s4 =	sadd.s32 s5, s19  }
0x9d: {  	s8 =	simm.s32 $0x0;
	s20 =	sshll.u32 s6, $0x1;
	s6 =	sadd.s32 s21, s4  }
0x9e: {  	[timem:s8], [sflag:s22] =	dma.local [hbm:s6], s20  }
0x9f: {  	_ =	swait.ge [sflag:s22], s20  }
0xa0: {  	s5 =	ssub.s32 $0x0, s20;
	[sflag:s22] =	ssyncset.done $0x0  }
0xa1: {  	[sflag:s22] =	ssyncadd.s32 s5;
	_ =	sdelay $0x1  }
0xa2: {  	s23 =	simm.s32 $0x1B8B  }
0xa3: {  	_ =	swait.ge [sflag:s23], $0x1  }
0xa4: {  	[sflag:s23] =	ssyncset.done $0x0  }
0xa5: {  	s25 =	simm.s32 $0x1B8E;
	s24 =	sld [smem:$0x3FFE];
	[sflag:s23] =	ssyncadd.s32 $0xFFFFFFFF  }
0xa6: {  	s26 =	simm.s32 $execute0_lowered;
	[smem:$0x3FD2] =	sst s25  }
0xa7: {  	s6 =	sshll.u32 s26, $0x1;
	_ =	strace $0x80000046;
	[dreg:$0x1] =	wrdreg $0xFFFFFFFF  }
0xa8: {  	s28 =	simm.s32 $_size_execute0_lowered;
	s4 =	sadd.s32 s4, s6;
	[dreg:$0x0] =	wrdreg $0x0  }
0xa9: {  	s6 =	sshll.u32 s28, $0x1;
	[dreg:$0x2] =	wrdreg s4  }
0xaa: {  	[dreg:$0x3] =	wrdreg s6  }
0xab: {  	[dreg:$0x4] =	wrdreg $0xC0  }
0xac: {  	_ =	task [dreg:s8], $0x5FFFF  }
0xad: {  	[dreg:$0x1] =	wrdreg $0xFFFFFFFF  }
0xae: {  	[dreg:$0x0] =	wrdreg $0x60  }
0xaf: {  	[dreg:$0x2] =	wrdreg s18  }
0xb0: {  	[dreg:$0x3] =	wrdreg s2  }
0xb1: {  	[dreg:$0x4] =	wrdreg s24  }
0xb2: {  	[dreg:$0x5] =	wrdreg $0x9  }
0xb3: {  	_ =	task.clear_ibuf [dreg:s8], $0x6FFFF;
	_ =	strace $0x90000046  }
0xb4: {  	s29 =	simm.s32 $0x9;
	_ =	strace $0x80000048  }
0xb5: {  	_ =	swait.ge [sflag:s29], $0x1  }
0xb6: {  	[sflag:s29] =	ssyncadd.s32 $0xFFFFFFFF  }
0xb7: {  	_ =	strace $0x90000048  }
0xb8: {  	_ =	sfence  }
0xb9: {  	s30 =	sld [smem:$0x0];
	_ =	sdelay $0x2  }
0xba: {  	s31 =	sshll.u32 s1, $0xD;
	s1 =	sshrl.u32 s1, $0x2  }
0xbb: {  	s3 =	sand.u32 $0x4000, s31;
	s1 =	sadd.s32 s1, s30  }
0xbc: {  	s0 =	sor.u32 s3, s0;
	s1 =	sshll.u32 s1, $0x11  }
0xbd: {  	s0 =	sor.u32 s1, s0  }
0xbe: {  	s0 =	sadd.s32 $0x8F2B, s0  }
0xbf: {  	[sflag:s0] =	ssyncadd.remote.s32 $0x1  }
0xc0: {  	_ =	sfence.sel $0xFFFF  }
0xc1: {  	[dreg:$0x0] =	wrdreg $0xFFFFFFFF;
	(pc) =	sbr.abs _section_cstart, $3  }
0xc2: {  	[dreg:$0x1] =	wrdreg $0xFFFFFFFF  }
0xc3: {  	_ =	task.clear_ibuf [dreg:s8], $0x2FFFF;
	_ =	strace $0x9FFFFFFF  }
0xc4: {  	(tm) =	ssettm $0x7FFFFFFF  }
0xc5: {  	_ =	shalt  }
tec
execute0_lowered:
.L_overlay_start_1:
0x0: {  	(tag) =	ssettag $0x1  }
0x1: {  	s1 =	rddreg [dreg:$0x0]  }
0x2: {  	s4 =	rddreg [dreg:$0x1]  }
0x3: {  	s5 =	rddreg [dreg:$0x2];
	s3 =	srdreg.scid  }
0x4: {  	s0 =	rddreg [dreg:$0x3];
	s2 =	stileid.u32  }
0x5: {  	s10 =	simm.s32 $0x20000;
	s11 =	simm.s32 $0xC800;
	s12 =	simm.s32 $0x19000  }
0x6: {  	s13 =	simm.s32 $0x3;
	s14 =	simm.s32 $0x1;
	s15 =	simm.s32 $0x2  }
0x7: {  	s16 =	simm.s32 $0x19400;
	s17 =	simm.s32 $0x19600;
	s6 =	sand.u32 $0x1, s3  }
0x8: {  	s3 =	simm.s32 $0x0;
	s7 =	sshll.u32 s2, $0xA;
	s8 =	sshll.u32 s6, $0x9  }
0x9: {  	s18 =	simm.s32 $0x0;
	[smem:$0x7FF] =	sst s3;
	s7 =	sor.u32 s8, s7  }
0xa: {  	s6 =	ssub.s32 $0x2, s6;
	_ =	strace $0x80000047;
	s8 =	sshrl.u32 s7, $0x3  }
0xb: {  	s31 =	sshrl.u32 s6, $0x1;
	s4 =	sadd.s32 s4, s7;
	s8 =	sadd.s32 s8, s5  }
0xc: {  	s9 =	ssub.s32 s6, s31;
	s5 =	sadd.s32 $0x100, s4;
	s6 =	sadd.s32 $0x1000, s8  }
0xd: {  	s7 =	sadd.s32 $0x1800, s8;
	s8 =	smax.u32 s9, $0x1;
	s9 =	simm.s32 $0x800  }
.LBB2_1:
0xe: {  	[tilespmem:s3], [sflag:$0x1] =	stream.strided.gather [hbm4b:s4+s9], $0xC800, s10, s9, $0x38;
	[tilespmem:$0x19800] =	vst v63  }
0xf: {  	_ = 	snop  }
0x10: {  	[tilespmem:s11], [sflag:$0x2] =	stream.strided.gather [hbm4b:s5+s9], $0xC800, s10, s9, $0x38;
	[tilespmem:$0x19800] =	vst v63  }
0x11: {  	_ = 	snop  }
0x12: {  	[tilespmem:s12], [sflag:$0x3] =	stream.linear.gather [hbm4b:s1+s3], $0x400, $0x38;
	[tilespmem:$0x19800] =	vst v63  }
0x13: {  	_ =	swait.ge [sflag:s13], $0x400  }
0x14: {  	[sflag:s13] =	ssyncset.done $0x0  }
0x15: {  	[sflag:s13] =	ssyncadd.s32 $0xFFFFFC00  }
0x16: {  	_ =	swait.ge [sflag:s14], $0xC800  }
0x17: {  	s19 =	simm.s32 $0x0;
	[sflag:s14] =	ssyncset.done $0x0  }
0x18: {  	s20 =	simm.s32 $0x0;
	s21 =	simm.s32 $0x0;
	[sflag:s14] =	ssyncadd.s32 $0xFFFF3800  }
.LBB2_2:
0x19: {  	s22 =	sshll.u32 s20, $0x2;
	s23 =	sand.u32 $0x7, s19  }
0x1a: {  	s22 =	sand.u32 $0xFFFFF000, s22;
	s23 =	sshll.u32 s23, $0x6  }
0x1b: {  	s22 =	sor.u32 s23, s22  }
0x1c: {  	s22 =	sshrl.u32 s22, $0x2  }
0x1d: {  	s26 =	sadd.s32 $0x800, s22  }
0x1e: {  	v0 =	vld [tilespmem:s26+$0x0]  }
0x1f: {  	v1 =	vld [tilespmem:s26+$0x80]  }
0x20: {  	v2 =	vld [tilespmem:s26+$0x100]  }
0x21: {  	v3 =	vld [tilespmem:s26+$0x180]  }
0x22: {  	v4 =	vld [tilespmem:s26+$0x200]  }
0x23: {  	v5 =	vld [tilespmem:s26+$0x280]  }
0x24: {  	v6 =	vld [tilespmem:s26+$0x300]  }
0x25: {  	v7 =	vld [tilespmem:s26+$0xFFFFF800]  }
0x26: {  	v8 =	vld [tilespmem:s26+$0xFFFFF880]  }
0x27: {  	v9 =	vld [tilespmem:s26+$0xFFFFF900]  }
0x28: {  	v10 =	vld [tilespmem:s26+$0xFFFFF980]  }
0x29: {  	v0 =	vld.idx.msk [tilespmem:v0+s12+$0x0], $0xffff  }
0x2a: {  	v1 =	vld.idx.msk [tilespmem:v1+s12+$0x0], $0xffff  }
0x2b: {  	v2 =	vld.idx.msk [tilespmem:v2+s12+$0x0], $0xffff  }
0x2c: {  	v3 =	vld.idx.msk [tilespmem:v3+s12+$0x0], $0xffff  }
0x2d: {  	v4 =	vld.idx.msk [tilespmem:v4+s12+$0x0], $0xffff  }
0x2e: {  	v5 =	vld.idx.msk [tilespmem:v5+s12+$0x0], $0xffff  }
0x2f: {  	v11 =	vld.idx.msk [tilespmem:v6+s12+$0x0], $0xffff  }
0x30: {  	v7 =	vld.idx.msk [tilespmem:v7+s12+$0x0], $0xffff  }
0x31: {  	v20 =	vimm.f32 $0.0e+00;
	v18 =	vimm.f32 $0.0e+00;
	v19 =	vimm.f32 $0.0e+00;
	v31 =	vld.idx.msk [tilespmem:v8+s12+$0x0], $0xffff  }
0x32: {  	v12 =	vimm.f32 $0.0e+00;
	v13 =	vimm.f32 $0.0e+00;
	v14 =	vimm.f32 $0.0e+00;
	v36 =	vld.idx.msk [tilespmem:v9+s12+$0x0], $0xffff  }
0x33: {  	v6 =	vimm.f32 $0.0e+00;
	v26 =	vunpack.i.u.bf16.f32 v1;
	v28 =	vunpack.i.l.bf16.f32 v1;
	v1 =	vld [tilespmem:s26+$0xFFFFFA00]  }
0x34: {  	v35 =	vld.idx.msk [tilespmem:v10+s12+$0x0], $0xffff;
	v8 =	vimm.f32 $0.0e+00;
	v9 =	vimm.f32 $0.0e+00;
	v10 =	vimm.f32 $0.0e+00  }
0x35: {  	v29 =	vld [tilespmem:s26+$0xFFFFFA80];
	v27 =	vunpack.i.u.bf16.f32 v0;
	v30 =	vunpack.i.l.bf16.f32 v0;
	v23 =	vunpack.i.u.bf16.f32 v2  }
0x36: {  	v25 =	vunpack.i.l.bf16.f32 v2;
	v22 =	vunpack.i.u.bf16.f32 v3;
	v24 =	vunpack.i.l.bf16.f32 v3  }
0x37: {  	v32 =	vld [tilespmem:s26+$0xFFFFFB00];
	v16 =	vunpack.i.u.bf16.f32 v4;
	v21 =	vunpack.i.l.bf16.f32 v4;
	v15 =	vunpack.i.u.bf16.f32 v5  }
0x38: {  	v17 =	vunpack.i.l.bf16.f32 v5;
	v3 =	vunpack.i.u.bf16.f32 v11;
	v5 =	vunpack.i.l.bf16.f32 v11  }
0x39: {  	v33 =	vld [tilespmem:s26+$0xFFFFFB80];
	v39 =	vunpack.i.u.bf16.f32 v7;
	v40 =	vunpack.i.l.bf16.f32 v7;
	v38 =	vunpack.i.u.bf16.f32 v31  }
0x3a: {  	s24 =	sshll.u32 s21, $0x7;
	s25 =	simm.s32 $0x0;
	s22 =	sshll.u32 s21, $0x4;
	v34 =	vld [tilespmem:s26+$0x380];
	v11 =	vimm.f32 $0.0e+00;
	v7 =	vimm.f32 $0.0e+00;
	v0 =	vimm.f32 $0.0e+00  }
0x3b: {  	s24 =	sand.u32 $0x400, s24;
	s23 =	sand.u32 $0x70, s22;
	s26 =	sadd.s32 $0x1000, s26;
	v4 =	vimm.f32 $0.0e+00;
	v2 =	vimm.f32 $0.0e+00;
	v37 =	vld.idx.msk [tilespmem:v1+s12+$0x0], $0xffff;
	v1 =	vimm.f32 $0.0e+00  }
.LBB2_3:
0x3c: {  	v41 =	vld [tilespmem:s26+$0x0];
	v6 =	vadd.f32 v40, v6;
	v20 =	vadd.f32 v39, v20;
	v31 =	vunpack.i.l.bf16.f32 v31  }
0x3d: {  	v19 =	vadd.f32 v38, v19;
	v18 =	vadd.f32 v31, v18;
	v31 =	vunpack.i.u.bf16.f32 v36;
	v29 =	vld.idx.msk [tilespmem:v29+s12+$0x0], $0xffff  }
0x3e: {  	v36 =	vunpack.i.l.bf16.f32 v36;
	v38 =	vld [tilespmem:s26+$0x80];
	v6 =	vadd.f32 v30, v6;
	v20 =	vadd.f32 v27, v20  }
0x3f: {  	v27 =	vunpack.i.u.bf16.f32 v35;
	v19 =	vadd.f32 v26, v19;
	v30 =	vld.idx.msk [tilespmem:v32+s12+$0x0], $0xffff;
	v18 =	vadd.f32 v28, v18  }
0x40: {  	v12 =	vadd.f32 v36, v12;
	v13 =	vadd.f32 v31, v13;
	v28 =	vunpack.i.l.bf16.f32 v35;
	v26 =	vld [tilespmem:s26+$0x100]  }
0x41: {  	v14 =	vadd.f32 v27, v14;
	v11 =	vadd.f32 v28, v11;
	v27 =	vunpack.i.u.bf16.f32 v37;
	v28 =	vld.idx.msk [tilespmem:v33+s12+$0x0], $0xffff  }
0x42: {  	v32 =	vunpack.i.l.bf16.f32 v37;
	v12 =	vadd.f32 v25, v12;
	v13 =	vadd.f32 v23, v13;
	v31 =	vld [tilespmem:s26+$0x180]  }
0x43: {  	v14 =	vadd.f32 v22, v14;
	v23 =	vunpack.i.u.bf16.f32 v29;
	v11 =	vadd.f32 v24, v11;
	v22 =	vld.idx.msk [tilespmem:v34+s12+$0x0], $0xffff  }
0x44: {  	v7 =	vadd.f32 v32, v7;
	v8 =	vadd.f32 v27, v8;
	v25 =	vunpack.i.l.bf16.f32 v29;
	v24 =	vld [tilespmem:s26+$0x200]  }
0x45: {  	v9 =	vadd.f32 v25, v9;
	v10 =	vadd.f32 v23, v10;
	v23 =	vunpack.i.u.bf16.f32 v30;
	v27 =	vld [tilespmem:s26+$0x280]  }
0x46: {  	v7 =	vadd.f32 v21, v7;
	v8 =	vadd.f32 v16, v8;
	v29 =	vunpack.i.l.bf16.f32 v30;
	v25 =	vld [tilespmem:s26+$0x300]  }
0x47: {  	v9 =	vadd.f32 v17, v9;
	v10 =	vadd.f32 v15, v10;
	v21 =	vunpack.i.u.bf16.f32 v28;
	v16 =	vld [tilespmem:s26+$0xFFFFF800]  }
0x48: {  	v0 =	vadd.f32 v29, v0;
	v4 =	vadd.f32 v23, v4;
	v17 =	vunpack.i.l.bf16.f32 v28;
	v15 =	vld [tilespmem:s26+$0xFFFFF880]  }
0x49: {  	v1 =	vadd.f32 v17, v1;
	v2 =	vadd.f32 v21, v2;
	v17 =	vunpack.i.u.bf16.f32 v22;
	v23 =	vld [tilespmem:s26+$0xFFFFF900]  }
0x4a: {  	v0 =	vadd.f32 v5, v0;
	v4 =	vadd.f32 v3, v4;
	v3 =	vunpack.i.l.bf16.f32 v22;
	v21 =	vld [tilespmem:s26+$0xFFFFF980]  }
0x4b: {  	v1 =	vadd.f32 v3, v1;
	v2 =	vadd.f32 v17, v2;
	v37 =	vld [tilespmem:s26+$0xFFFFFA00]  }
0x4c: {  	v29 =	vld [tilespmem:s26+$0xFFFFFA80]  }
0x4d: {  	v3 =	vld.idx.msk [tilespmem:v41+s12+$0x0], $0xffff  }
0x4e: {  	v5 =	vld.idx.msk [tilespmem:v38+s12+$0x0], $0xffff  }
0x4f: {  	v17 =	vld.idx.msk [tilespmem:v26+s12+$0x0], $0xffff  }
0x50: {  	v34 =	vld.idx.msk [tilespmem:v31+s12+$0x0], $0xffff  }
0x51: {  	v38 =	vld.idx.msk [tilespmem:v24+s12+$0x0], $0xffff  }
0x52: {  	v39 =	vld.idx.msk [tilespmem:v27+s12+$0x0], $0xffff  }
0x53: {  	v40 =	vld.idx.msk [tilespmem:v25+s12+$0x0], $0xffff  }
0x54: {  	v41 =	vld.idx.msk [tilespmem:v16+s12+$0x0], $0xffff  }
0x55: {  	s25 =	sadd.s32 $0x2, s25;
	v31 =	vld.idx.msk [tilespmem:v15+s12+$0x0], $0xffff  }
0x56: {  	p0 =	slt.u32 s25, $0x16;
	v27 =	vunpack.i.u.bf16.f32 v3;
	v30 =	vunpack.i.l.bf16.f32 v3;
	v32 =	vld [tilespmem:s26+$0xFFFFFB00]  }
.Ltmp0:
0x57: {  	v26 =	vunpack.i.u.bf16.f32 v5;
	v28 =	vunpack.i.l.bf16.f32 v5;
	v36 =	vld.idx.msk [tilespmem:v23+s12+$0x0], $0xffff;
	v23 =	vunpack.i.u.bf16.f32 v17;
	(pc) =	sbr.rel @p0 .LBB2_3-.Ltmp0, $4  }
0x58: {  	v25 =	vunpack.i.l.bf16.f32 v17;
	v22 =	vunpack.i.u.bf16.f32 v34;
	v24 =	vunpack.i.l.bf16.f32 v34;
	v33 =	vld [tilespmem:s26+$0xFFFFFB80]  }
0x59: {  	v16 =	vunpack.i.u.bf16.f32 v38;
	v15 =	vunpack.i.u.bf16.f32 v39;
	v35 =	vld.idx.msk [tilespmem:v21+s12+$0x0], $0xffff;
	v21 =	vunpack.i.l.bf16.f32 v38  }
0x5a: {  	v17 =	vunpack.i.l.bf16.f32 v39;
	v3 =	vunpack.i.u.bf16.f32 v40;
	v5 =	vunpack.i.l.bf16.f32 v40;
	v34 =	vld [tilespmem:s26+$0x380]  }
0x5b: {  	v39 =	vunpack.i.u.bf16.f32 v41;
	v40 =	vunpack.i.l.bf16.f32 v41;
	v38 =	vunpack.i.u.bf16.f32 v31;
	s26 =	sadd.s32 $0x1000, s26;
	v37 =	vld.idx.msk [tilespmem:v37+s12+$0x0], $0xffff  }
0x5c: {  	_ =	sdelay $0x3  }
0x5d: {  	v29 =	vld.idx.msk [tilespmem:v29+s12+$0x0], $0xffff  }
0x5e: {  	s23 =	sadd.s32 s23, s24;
	v6 =	vadd.f32 v40, v6;
	v32 =	vld.idx.msk [tilespmem:v32+s12+$0x0], $0xffff  }
0x5f: {  	v20 =	vadd.f32 v39, v20;
	v31 =	vunpack.i.l.bf16.f32 v31;
	v19 =	vadd.f32 v38, v19;
	v41 =	vld [tilespmem:s23+$0xC000]  }
0x60: {  	v48 =	vunpack.i.u.bf16.f32 v36;
	v49 =	vunpack.i.l.bf16.f32 v36;
	v18 =	vadd.f32 v31, v18;
	v50 =	vld.idx.msk [tilespmem:v33+s12+$0x0], $0xffff  }
0x61: {  	v52 =	vld [tilespmem:s23+$0xC080];
	v12 =	vadd.f32 v49, v12;
	v13 =	vadd.f32 v48, v13  }
0x62: {  	v56 =	vld [tilespmem:s23+$0xC100];
	v6 =	vadd.f32 v30, v6;
	v20 =	vadd.f32 v27, v20;
	v51 =	vunpack.i.u.bf16.f32 v35  }
0x63: {  	v58 =	vld [tilespmem:s23+$0xC180];
	v19 =	vadd.f32 v26, v19;
	v53 =	vunpack.i.l.bf16.f32 v35;
	v18 =	vadd.f32 v28, v18  }
0x64: {  	v62 =	vld [tilespmem:s23+$0xC200];
	v11 =	vadd.f32 v53, v11;
	v14 =	vadd.f32 v51, v14  }
0x65: {  	v33 =	vld [tilespmem:s23+$0xC280];
	v12 =	vadd.f32 v25, v12;
	v13 =	vadd.f32 v23, v13;
	v55 =	vunpack.i.u.bf16.f32 v37  }
0x66: {  	v39 =	vld [tilespmem:s23+$0xC380];
	v57 =	vunpack.i.l.bf16.f32 v37;
	v59 =	vunpack.i.u.bf16.f32 v29;
	v11 =	vadd.f32 v24, v11  }
0x67: {  	v35 =	vld [tilespmem:s23+$0xC300];
	v14 =	vadd.f32 v22, v14;
	v7 =	vadd.f32 v57, v7;
	v61 =	vunpack.i.l.bf16.f32 v29  }
0x68: {  	v54 =	vld.idx.msk [tilespmem:v34+s12+$0x0], $0xffff;
	v8 =	vadd.f32 v55, v8;
	v34 =	vunpack.i.l.bf16.f32 v32;
	v9 =	vadd.f32 v61, v9  }
0x69: {  	v63 =	vunpack.i.u.bf16.f32 v32;
	v10 =	vadd.f32 v59, v10;
	v0 =	vadd.f32 v34, v0;
	v60 =	vld.idx.msk [tilespmem:v41+s12+$0x0], $0xffff  }
0x6a: {  	v4 =	vadd.f32 v63, v4;
	v38 =	vunpack.i.l.bf16.f32 v50;
	v7 =	vadd.f32 v21, v7;
	v37 =	vld.idx.msk [tilespmem:v52+s12+$0x0], $0xffff  }
0x6b: {  	v36 =	vunpack.i.u.bf16.f32 v50;
	v8 =	vadd.f32 v16, v8;
	v1 =	vadd.f32 v38, v1;
	v40 =	vld.idx.msk [tilespmem:v56+s12+$0x0], $0xffff  }
0x6c: {  	v2 =	vadd.f32 v36, v2;
	v9 =	vadd.f32 v17, v9;
	v23 =	vld.idx.msk [tilespmem:v58+s12+$0x0], $0xffff  }
0x6d: {  	v10 =	vadd.f32 v15, v10;
	v0 =	vadd.f32 v5, v0;
	v45 =	vld.idx.msk [tilespmem:v62+s12+$0x0], $0xffff  }
0x6e: {  	v42 =	vunpack.i.l.bf16.f32 v54;
	v3 =	vadd.f32 v3, v4;
	v41 =	vunpack.i.u.bf16.f32 v54;
	v47 =	vld.idx.msk [tilespmem:v33+s12+$0x0], $0xffff  }
0x6f: {  	v1 =	vadd.f32 v42, v1;
	v2 =	vadd.f32 v41, v2  }
0x70: {  	v52 =	vld.idx.msk [tilespmem:v39+s12+$0x0], $0xffff;
	v43 =	vunpack.i.l.bf16.f32 v60;
	v44 =	vunpack.i.u.bf16.f32 v60;
	v46 =	vunpack.i.u.bf16.f32 v37  }
0x71: {  	v15 =	vunpack.i.l.bf16.f32 v37;
	v49 =	vunpack.i.l.bf16.f32 v40;
	v17 =	vunpack.i.u.bf16.f32 v40  }
0x72: {  	v50 =	vunpack.i.l.bf16.f32 v23;
	v51 =	vunpack.i.u.bf16.f32 v23;
	v53 =	vunpack.i.u.bf16.f32 v45  }
0x73: {  	v16 =	vld.idx.msk [tilespmem:v35+s12+$0x0], $0xffff;
	v55 =	vunpack.i.l.bf16.f32 v47;
	v4 =	vadd.f32 v43, v6;
	v5 =	vadd.f32 v44, v20  }
0x74: {  	v56 =	vunpack.i.u.bf16.f32 v47;
	v15 =	vadd.f32 v15, v18;
	v48 =	vadd.f32 v46, v19  }
0x75: {  	v58 =	vunpack.i.u.bf16.f32 v52;
	v12 =	vadd.f32 v49, v12;
	v13 =	vadd.f32 v17, v13  }
0x76: {  	v59 =	vunpack.i.l.bf16.f32 v52;
	v11 =	vadd.f32 v50, v11;
	v14 =	vadd.f32 v51, v14  }
0x77: {  	v6 =	vunpack.i.l.bf16.f32 v45;
	v54 =	vadd.f32 v53, v8;
	v8 =	vadd.f32 v55, v9  }
0x78: {  	v57 =	vunpack.i.l.bf16.f32 v16;
	v10 =	vadd.f32 v56, v10;
	v1 =	vadd.f32 v59, v1  }
0x79: {  	v16 =	vunpack.i.u.bf16.f32 v16;
	v2 =	vadd.f32 v58, v2;
	v6 =	vadd.f32 v6, v7  }
0x7a: {  	v0 =	vadd.f32 v57, v0;
	v3 =	vadd.f32 v16, v3  }
0x7b: {  	v4 =	vadd.f32 v15, v4;
	v60 =	vadd.f32 v11, v12  }
0x7c: {  	v61 =	vadd.f32 v48, v5;
	v62 =	vadd.f32 v14, v13  }
0x7d: {  	v6 =	vadd.f32 v8, v6;
	v0 =	vadd.f32 v1, v0  }
0x7e: {  	s21 =	sadd.s32 $0x1, s21;
	v7 =	vadd.f32 v10, v54;
	v2 =	vadd.f32 v2, v3  }
0x7f: {  	p0 =	sne.s32 s21, $0x10;
	v63 =	vadd.f32 v60, v4;
	v0 =	vadd.f32 v0, v6  }
.Ltmp1:
0x80: {  	v1 =	vadd.f32 v62, v61;
	v2 =	vadd.f32 v2, v7;
	(pc) =	sbr.rel @p0 .LBB2_2-.Ltmp1, $4  }
0x81: {  	v0 =	vadd.f32 v0, v63  }
0x82: {  	v1 =	vadd.f32 v2, v1  }
0x83: {  	[tilespmem:s22+$0x19400] =	vst v0  }
0x84: {  	s20 =	sadd.s32 $0x80, s20;
	s19 =	sadd.s32 $0x1, s19;
	[tilespmem:s22+$0x19600] =	vst v1  }
0x85: {  	_ =	swait.ge [sflag:s15], $0xC800  }
0x86: {  	s19 =	simm.s32 $0x0;
	[sflag:s15] =	ssyncset.done $0x0  }
0x87: {  	s20 =	simm.s32 $0x0;
	s21 =	simm.s32 $0x0;
	[sflag:s15] =	ssyncadd.s32 $0xFFFF3800  }
.LBB2_6:
0x88: {  	s22 =	sshll.u32 s20, $0x2;
	s23 =	sand.u32 $0x7, s19  }
0x89: {  	s22 =	sand.u32 $0xFFFFF000, s22;
	s23 =	sshll.u32 s23, $0x6  }
0x8a: {  	s22 =	sor.u32 s23, s22  }
0x8b: {  	s22 =	sshrl.u32 s22, $0x2  }
0x8c: {  	s26 =	sadd.s32 $0xD000, s22  }
0x8d: {  	v0 =	vld [tilespmem:s26+$0x0]  }
0x8e: {  	v1 =	vld [tilespmem:s26+$0x80]  }
0x8f: {  	v2 =	vld [tilespmem:s26+$0x100]  }
0x90: {  	v3 =	vld [tilespmem:s26+$0x180]  }
0x91: {  	v4 =	vld [tilespmem:s26+$0x200]  }
0x92: {  	v5 =	vld [tilespmem:s26+$0x280]  }
0x93: {  	v6 =	vld [tilespmem:s26+$0x300]  }
0x94: {  	v7 =	vld [tilespmem:s26+$0xFFFFF800]  }
0x95: {  	v8 =	vld [tilespmem:s26+$0xFFFFF880]  }
0x96: {  	v9 =	vld [tilespmem:s26+$0xFFFFF900]  }
0x97: {  	v10 =	vld [tilespmem:s26+$0xFFFFF980]  }
0x98: {  	v0 =	vld.idx.msk [tilespmem:v0+s12+$0x0], $0xffff  }
0x99: {  	v1 =	vld.idx.msk [tilespmem:v1+s12+$0x0], $0xffff  }
0x9a: {  	v2 =	vld.idx.msk [tilespmem:v2+s12+$0x0], $0xffff  }
0x9b: {  	v3 =	vld.idx.msk [tilespmem:v3+s12+$0x0], $0xffff  }
0x9c: {  	v4 =	vld.idx.msk [tilespmem:v4+s12+$0x0], $0xffff  }
0x9d: {  	v5 =	vld.idx.msk [tilespmem:v5+s12+$0x0], $0xffff  }
0x9e: {  	v11 =	vld.idx.msk [tilespmem:v6+s12+$0x0], $0xffff  }
0x9f: {  	v7 =	vld.idx.msk [tilespmem:v7+s12+$0x0], $0xffff  }
0xa0: {  	v20 =	vimm.f32 $0.0e+00;
	v18 =	vimm.f32 $0.0e+00;
	v19 =	vimm.f32 $0.0e+00;
	v31 =	vld.idx.msk [tilespmem:v8+s12+$0x0], $0xffff  }
0xa1: {  	v12 =	vimm.f32 $0.0e+00;
	v13 =	vimm.f32 $0.0e+00;
	v14 =	vimm.f32 $0.0e+00;
	v36 =	vld.idx.msk [tilespmem:v9+s12+$0x0], $0xffff  }
0xa2: {  	v6 =	vimm.f32 $0.0e+00;
	v26 =	vunpack.i.u.bf16.f32 v1;
	v28 =	vunpack.i.l.bf16.f32 v1;
	v1 =	vld [tilespmem:s26+$0xFFFFFA00]  }
0xa3: {  	v35 =	vld.idx.msk [tilespmem:v10+s12+$0x0], $0xffff;
	v8 =	vimm.f32 $0.0e+00;
	v9 =	vimm.f32 $0.0e+00;
	v10 =	vimm.f32 $0.0e+00  }
0xa4: {  	v29 =	vld [tilespmem:s26+$0xFFFFFA80];
	v27 =	vunpack.i.u.bf16.f32 v0;
	v30 =	vunpack.i.l.bf16.f32 v0;
	v23 =	vunpack.i.u.bf16.f32 v2  }
0xa5: {  	v25 =	vunpack.i.l.bf16.f32 v2;
	v22 =	vunpack.i.u.bf16.f32 v3;
	v24 =	vunpack.i.l.bf16.f32 v3  }
0xa6: {  	v32 =	vld [tilespmem:s26+$0xFFFFFB00];
	v16 =	vunpack.i.u.bf16.f32 v4;
	v21 =	vunpack.i.l.bf16.f32 v4;
	v15 =	vunpack.i.u.bf16.f32 v5  }
0xa7: {  	v17 =	vunpack.i.l.bf16.f32 v5;
	v3 =	vunpack.i.u.bf16.f32 v11;
	v5 =	vunpack.i.l.bf16.f32 v11  }
0xa8: {  	v33 =	vld [tilespmem:s26+$0xFFFFFB80];
	v39 =	vunpack.i.u.bf16.f32 v7;
	v40 =	vunpack.i.l.bf16.f32 v7;
	v38 =	vunpack.i.u.bf16.f32 v31  }
0xa9: {  	s24 =	sshll.u32 s21, $0x7;
	s25 =	simm.s32 $0x0;
	s22 =	sshll.u32 s21, $0x4;
	v34 =	vld [tilespmem:s26+$0x380];
	v11 =	vimm.f32 $0.0e+00;
	v7 =	vimm.f32 $0.0e+00;
	v0 =	vimm.f32 $0.0e+00  }
0xaa: {  	s24 =	sand.u32 $0x400, s24;
	s23 =	sand.u32 $0x70, s22;
	s26 =	sadd.s32 $0x1000, s26;
	v4 =	vimm.f32 $0.0e+00;
	v2 =	vimm.f32 $0.0e+00;
	v37 =	vld.idx.msk [tilespmem:v1+s12+$0x0], $0xffff;
	v1 =	vimm.f32 $0.0e+00  }
.LBB2_7:
0xab: {  	v41 =	vld [tilespmem:s26+$0x0];
	v6 =	vadd.f32 v40, v6;
	v20 =	vadd.f32 v39, v20;
	v31 =	vunpack.i.l.bf16.f32 v31  }
0xac: {  	v19 =	vadd.f32 v38, v19;
	v18 =	vadd.f32 v31, v18;
	v31 =	vunpack.i.u.bf16.f32 v36;
	v29 =	vld.idx.msk [tilespmem:v29+s12+$0x0], $0xffff  }
0xad: {  	v36 =	vunpack.i.l.bf16.f32 v36;
	v38 =	vld [tilespmem:s26+$0x80];
	v6 =	vadd.f32 v30, v6;
	v20 =	vadd.f32 v27, v20  }
0xae: {  	v27 =	vunpack.i.u.bf16.f32 v35;
	v19 =	vadd.f32 v26, v19;
	v30 =	vld.idx.msk [tilespmem:v32+s12+$0x0], $0xffff;
	v18 =	vadd.f32 v28, v18  }
0xaf: {  	v12 =	vadd.f32 v36, v12;
	v13 =	vadd.f32 v31, v13;
	v28 =	vunpack.i.l.bf16.f32 v35;
	v26 =	vld [tilespmem:s26+$0x100]  }
0xb0: {  	v14 =	vadd.f32 v27, v14;
	v11 =	vadd.f32 v28, v11;
	v27 =	vunpack.i.u.bf16.f32 v37;
	v28 =	vld.idx.msk [tilespmem:v33+s12+$0x0], $0xffff  }
0xb1: {  	v32 =	vunpack.i.l.bf16.f32 v37;
	v12 =	vadd.f32 v25, v12;
	v13 =	vadd.f32 v23, v13;
	v31 =	vld [tilespmem:s26+$0x180]  }
0xb2: {  	v14 =	vadd.f32 v22, v14;
	v23 =	vunpack.i.u.bf16.f32 v29;
	v11 =	vadd.f32 v24, v11;
	v22 =	vld.idx.msk [tilespmem:v34+s12+$0x0], $0xffff  }
0xb3: {  	v7 =	vadd.f32 v32, v7;
	v8 =	vadd.f32 v27, v8;
	v25 =	vunpack.i.l.bf16.f32 v29;
	v24 =	vld [tilespmem:s26+$0x200]  }
0xb4: {  	v9 =	vadd.f32 v25, v9;
	v10 =	vadd.f32 v23, v10;
	v23 =	vunpack.i.u.bf16.f32 v30;
	v27 =	vld [tilespmem:s26+$0x280]  }
0xb5: {  	v7 =	vadd.f32 v21, v7;
	v8 =	vadd.f32 v16, v8;
	v29 =	vunpack.i.l.bf16.f32 v30;
	v25 =	vld [tilespmem:s26+$0x300]  }
0xb6: {  	v9 =	vadd.f32 v17, v9;
	v10 =	vadd.f32 v15, v10;
	v21 =	vunpack.i.u.bf16.f32 v28;
	v16 =	vld [tilespmem:s26+$0xFFFFF800]  }
0xb7: {  	v0 =	vadd.f32 v29, v0;
	v4 =	vadd.f32 v23, v4;
	v17 =	vunpack.i.l.bf16.f32 v28;
	v15 =	vld [tilespmem:s26+$0xFFFFF880]  }
0xb8: {  	v1 =	vadd.f32 v17, v1;
	v2 =	vadd.f32 v21, v2;
	v17 =	vunpack.i.u.bf16.f32 v22;
	v23 =	vld [tilespmem:s26+$0xFFFFF900]  }
0xb9: {  	v0 =	vadd.f32 v5, v0;
	v4 =	vadd.f32 v3, v4;
	v3 =	vunpack.i.l.bf16.f32 v22;
	v21 =	vld [tilespmem:s26+$0xFFFFF980]  }
0xba: {  	v1 =	vadd.f32 v3, v1;
	v2 =	vadd.f32 v17, v2;
	v37 =	vld [tilespmem:s26+$0xFFFFFA00]  }
0xbb: {  	v29 =	vld [tilespmem:s26+$0xFFFFFA80]  }
0xbc: {  	v3 =	vld.idx.msk [tilespmem:v41+s12+$0x0], $0xffff  }
0xbd: {  	v5 =	vld.idx.msk [tilespmem:v38+s12+$0x0], $0xffff  }
0xbe: {  	v17 =	vld.idx.msk [tilespmem:v26+s12+$0x0], $0xffff  }
0xbf: {  	v34 =	vld.idx.msk [tilespmem:v31+s12+$0x0], $0xffff  }
0xc0: {  	v38 =	vld.idx.msk [tilespmem:v24+s12+$0x0], $0xffff  }
0xc1: {  	v39 =	vld.idx.msk [tilespmem:v27+s12+$0x0], $0xffff  }
0xc2: {  	v40 =	vld.idx.msk [tilespmem:v25+s12+$0x0], $0xffff  }
0xc3: {  	v41 =	vld.idx.msk [tilespmem:v16+s12+$0x0], $0xffff  }
0xc4: {  	s25 =	sadd.s32 $0x2, s25;
	v31 =	vld.idx.msk [tilespmem:v15+s12+$0x0], $0xffff  }
0xc5: {  	p0 =	slt.u32 s25, $0x16;
	v27 =	vunpack.i.u.bf16.f32 v3;
	v30 =	vunpack.i.l.bf16.f32 v3;
	v32 =	vld [tilespmem:s26+$0xFFFFFB00]  }
.Ltmp2:
0xc6: {  	v26 =	vunpack.i.u.bf16.f32 v5;
	v28 =	vunpack.i.l.bf16.f32 v5;
	v36 =	vld.idx.msk [tilespmem:v23+s12+$0x0], $0xffff;
	v23 =	vunpack.i.u.bf16.f32 v17;
	(pc) =	sbr.rel @p0 .LBB2_7-.Ltmp2, $4  }
0xc7: {  	v25 =	vunpack.i.l.bf16.f32 v17;
	v22 =	vunpack.i.u.bf16.f32 v34;
	v24 =	vunpack.i.l.bf16.f32 v34;
	v33 =	vld [tilespmem:s26+$0xFFFFFB80]  }
0xc8: {  	v16 =	vunpack.i.u.bf16.f32 v38;
	v15 =	vunpack.i.u.bf16.f32 v39;
	v35 =	vld.idx.msk [tilespmem:v21+s12+$0x0], $0xffff;
	v21 =	vunpack.i.l.bf16.f32 v38  }
0xc9: {  	v17 =	vunpack.i.l.bf16.f32 v39;
	v3 =	vunpack.i.u.bf16.f32 v40;
	v5 =	vunpack.i.l.bf16.f32 v40;
	v34 =	vld [tilespmem:s26+$0x380]  }
0xca: {  	v39 =	vunpack.i.u.bf16.f32 v41;
	v40 =	vunpack.i.l.bf16.f32 v41;
	v38 =	vunpack.i.u.bf16.f32 v31;
	s26 =	sadd.s32 $0x1000, s26;
	v37 =	vld.idx.msk [tilespmem:v37+s12+$0x0], $0xffff  }
0xcb: {  	_ =	sdelay $0x3  }
0xcc: {  	v29 =	vld.idx.msk [tilespmem:v29+s12+$0x0], $0xffff  }
0xcd: {  	s23 =	sadd.s32 s23, s24;
	v6 =	vadd.f32 v40, v6;
	v32 =	vld.idx.msk [tilespmem:v32+s12+$0x0], $0xffff  }
0xce: {  	v20 =	vadd.f32 v39, v20;
	v31 =	vunpack.i.l.bf16.f32 v31;
	v19 =	vadd.f32 v38, v19;
	v41 =	vld [tilespmem:s23+$0x18800]  }
0xcf: {  	v48 =	vunpack.i.u.bf16.f32 v36;
	v49 =	vunpack.i.l.bf16.f32 v36;
	v18 =	vadd.f32 v31, v18;
	v50 =	vld.idx.msk [tilespmem:v33+s12+$0x0], $0xffff  }
0xd0: {  	v52 =	vld [tilespmem:s23+$0x18880];
	v12 =	vadd.f32 v49, v12;
	v13 =	vadd.f32 v48, v13  }
0xd1: {  	v56 =	vld [tilespmem:s23+$0x18900];
	v6 =	vadd.f32 v30, v6;
	v20 =	vadd.f32 v27, v20;
	v51 =	vunpack.i.u.bf16.f32 v35  }
0xd2: {  	v58 =	vld [tilespmem:s23+$0x18980];
	v19 =	vadd.f32 v26, v19;
	v53 =	vunpack.i.l.bf16.f32 v35;
	v18 =	vadd.f32 v28, v18  }
0xd3: {  	v62 =	vld [tilespmem:s23+$0x18A00];
	v11 =	vadd.f32 v53, v11;
	v14 =	vadd.f32 v51, v14  }
0xd4: {  	v33 =	vld [tilespmem:s23+$0x18A80];
	v12 =	vadd.f32 v25, v12;
	v13 =	vadd.f32 v23, v13;
	v55 =	vunpack.i.u.bf16.f32 v37  }
0xd5: {  	v39 =	vld [tilespmem:s23+$0x18B80];
	v57 =	vunpack.i.l.bf16.f32 v37;
	v59 =	vunpack.i.u.bf16.f32 v29;
	v11 =	vadd.f32 v24, v11  }
0xd6: {  	v35 =	vld [tilespmem:s23+$0x18B00];
	v14 =	vadd.f32 v22, v14;
	v7 =	vadd.f32 v57, v7;
	v61 =	vunpack.i.l.bf16.f32 v29  }
0xd7: {  	v54 =	vld.idx.msk [tilespmem:v34+s12+$0x0], $0xffff;
	v8 =	vadd.f32 v55, v8;
	v34 =	vunpack.i.l.bf16.f32 v32;
	v9 =	vadd.f32 v61, v9  }
0xd8: {  	v63 =	vunpack.i.u.bf16.f32 v32;
	v10 =	vadd.f32 v59, v10;
	v0 =	vadd.f32 v34, v0;
	v60 =	vld.idx.msk [tilespmem:v41+s12+$0x0], $0xffff  }
0xd9: {  	v4 =	vadd.f32 v63, v4;
	v38 =	vunpack.i.l.bf16.f32 v50;
	v7 =	vadd.f32 v21, v7;
	v37 =	vld.idx.msk [tilespmem:v52+s12+$0x0], $0xffff  }
0xda: {  	v36 =	vunpack.i.u.bf16.f32 v50;
	v8 =	vadd.f32 v16, v8;
	v1 =	vadd.f32 v38, v1;
	v40 =	vld.idx.msk [tilespmem:v56+s12+$0x0], $0xffff  }
0xdb: {  	v2 =	vadd.f32 v36, v2;
	v9 =	vadd.f32 v17, v9;
	v23 =	vld.idx.msk [tilespmem:v58+s12+$0x0], $0xffff  }
0xdc: {  	v10 =	vadd.f32 v15, v10;
	v0 =	vadd.f32 v5, v0;
	v45 =	vld.idx.msk [tilespmem:v62+s12+$0x0], $0xffff  }
0xdd: {  	v42 =	vunpack.i.l.bf16.f32 v54;
	v3 =	vadd.f32 v3, v4;
	v41 =	vunpack.i.u.bf16.f32 v54;
	v47 =	vld.idx.msk [tilespmem:v33+s12+$0x0], $0xffff  }
0xde: {  	v1 =	vadd.f32 v42, v1;
	v2 =	vadd.f32 v41, v2  }
0xdf: {  	v52 =	vld.idx.msk [tilespmem:v39+s12+$0x0], $0xffff;
	v43 =	vunpack.i.l.bf16.f32 v60;
	v44 =	vunpack.i.u.bf16.f32 v60;
	v46 =	vunpack.i.u.bf16.f32 v37  }
0xe0: {  	v15 =	vunpack.i.l.bf16.f32 v37;
	v49 =	vunpack.i.l.bf16.f32 v40;
	v17 =	vunpack.i.u.bf16.f32 v40  }
0xe1: {  	v50 =	vunpack.i.l.bf16.f32 v23;
	v51 =	vunpack.i.u.bf16.f32 v23;
	v53 =	vunpack.i.u.bf16.f32 v45  }
0xe2: {  	v16 =	vld.idx.msk [tilespmem:v35+s12+$0x0], $0xffff;
	v55 =	vunpack.i.l.bf16.f32 v47;
	v4 =	vadd.f32 v43, v6;
	v5 =	vadd.f32 v44, v20  }
0xe3: {  	v56 =	vunpack.i.u.bf16.f32 v47;
	v15 =	vadd.f32 v15, v18;
	v48 =	vadd.f32 v46, v19  }
0xe4: {  	v58 =	vunpack.i.u.bf16.f32 v52;
	v12 =	vadd.f32 v49, v12;
	v13 =	vadd.f32 v17, v13  }
0xe5: {  	v59 =	vunpack.i.l.bf16.f32 v52;
	v11 =	vadd.f32 v50, v11;
	v14 =	vadd.f32 v51, v14  }
0xe6: {  	v6 =	vunpack.i.l.bf16.f32 v45;
	v54 =	vadd.f32 v53, v8;
	v8 =	vadd.f32 v55, v9  }
0xe7: {  	v57 =	vunpack.i.l.bf16.f32 v16;
	v10 =	vadd.f32 v56, v10;
	v1 =	vadd.f32 v59, v1  }
0xe8: {  	v16 =	vunpack.i.u.bf16.f32 v16;
	v2 =	vadd.f32 v58, v2;
	v6 =	vadd.f32 v6, v7  }
0xe9: {  	v0 =	vadd.f32 v57, v0;
	v3 =	vadd.f32 v16, v3  }
0xea: {  	v4 =	vadd.f32 v15, v4;
	v60 =	vadd.f32 v11, v12  }
0xeb: {  	v61 =	vadd.f32 v48, v5;
	v62 =	vadd.f32 v14, v13  }
0xec: {  	v6 =	vadd.f32 v8, v6;
	v0 =	vadd.f32 v1, v0  }
0xed: {  	s21 =	sadd.s32 $0x1, s21;
	v7 =	vadd.f32 v10, v54;
	v2 =	vadd.f32 v2, v3  }
0xee: {  	p0 =	sne.s32 s21, $0x10;
	v63 =	vadd.f32 v60, v4;
	v0 =	vadd.f32 v0, v6  }
.Ltmp3:
0xef: {  	v1 =	vadd.f32 v62, v61;
	v2 =	vadd.f32 v2, v7;
	(pc) =	sbr.rel @p0 .LBB2_6-.Ltmp3, $4  }
0xf0: {  	v0 =	vadd.f32 v0, v63  }
0xf1: {  	v1 =	vadd.f32 v2, v1  }
0xf2: {  	[tilespmem:s22+$0x19500] =	vst v0  }
0xf3: {  	s20 =	sadd.s32 $0x80, s20;
	s19 =	sadd.s32 $0x1, s19;
	[tilespmem:s22+$0x19700] =	vst v1  }
0xf4: {  	[hbm4b:s6+s3] =	stream.linear.scatter [tilespmem:s16], [sflag:$0x3], $0x200, $0x38;
	[tilespmem:$0x19800] =	vst v63  }
0xf5: {  	s18 =	sadd.s32 $0x1, s18;
	_ =	swait.ge [sflag:s13], $0x200  }
0xf6: {  	p0 =	sne.s32 s18, s8;
	[sflag:s13] =	ssyncset.done $0x0  }
.Ltmp4:
0xf7: {  	[sflag:s13] =	ssyncadd.s32 $0xFFFFFE00;
	(pc) =	sbr.rel @p0 .LBB2_1-.Ltmp4, $4  }
0xf8: {  	[hbm4b:s7+s3] =	stream.linear.scatter [tilespmem:s17], [sflag:$0x3], $0x200, $0x38;
	[tilespmem:$0x19800] =	vst v63  }
0xf9: {  	_ =	swait.ge [sflag:s13], $0x200  }
0xfa: {  	[sflag:s13] =	ssyncset.done $0x0  }
0xfb: {  	[sflag:s13] =	ssyncadd.s32 $0xFFFFFE00  }
0xfc: {  	_ =	sfence.sel $0x180000  }
0xfd: {  	[bflag:$0x0] =	sbarrier.arrive $0xFFFF  }
0xfe: {  	p0 =	sne.s32 s2, $0x0;
	_ =	strace $0x90000047  }
0xff: {  	s0 =	sadd.s32 @!p0 $0x100000, s0;
	[bflag:$0x2] =	sbarrier.arrive $0xFFFF  }
0x100: {  	[sflag:s0] =	ssyncadd.tile.s32 @!p0 $0x1;
	_ =	shalt  }
.Lfunc_end2:
_tile_overlayer_lowered:
.L_overlay_start_2:
0x101: {  	(tag) =	ssettag $0x2  }
0x102: {  	s0 =	rddreg [dreg:$0x0];
	s2 =	stileid.u32  }
0x103: {  	s1 =	rddreg [dreg:$0x1];
	p0 =	sne.s32 s2, $0x0  }
0x104: {  	s3 =	rddreg [dreg:$0x2];
	[bflag:$0x3] =	sbarrier.arrive $0xFFFF;
	s2 =	simm.s32 @!p0 $0x1C03  }
0x105: {  	[timem:s3], [sflag:s2] =	dma.local @!p0 [hbm:s0], s1  }
0x106: {  	s0 =	simm.s32 @!p0 $0x3  }
0x107: {  	_ =	swait.ge @!p0 [sflag:s0], s1  }
0x108: {  	s1 =	ssub.s32 @!p0 $0x0, s1;
	[sflag:s0] =	ssyncset.done @!p0 $0x0  }
0x109: {  	[sflag:s0] =	ssyncadd.s32 @!p0 s1  }
0x10a: {  	[bflag:$0x3] =	sbarrier.arrive $0xFFFF  }
0x10b: {  	_ =	shalt  }

</sc_bundles>
